<compile_context>
chip_gen: v7x
topology: tpu7x:2x2x1
jax: 0.10.2.dev20260603
libtpu: 0.0.44.dev20260713+nightly
codegen_flags: <defaults>
</compile_context>

<pallas_src>
import functools

import jax
import jax.numpy as jnp
from jax import lax
from jax.experimental import pallas as pl
from jax.experimental.pallas import tpu as pltpu
from jax.experimental.pallas import tpu_sc as plsc

_LANES = 16


def kernel(inputs, token_table, pos_table):
    B, S = inputs.shape
    V, D = token_table.shape
    N = B * S
    NW = 32
    RPW = D // NW
    assert D % NW == 0 and N % _LANES == 0 and S % _LANES == 0

    tok_t = token_table.T
    pos_t = pos_table.T

    mesh = plsc.VectorSubcoreMesh(core_axis_name="c", subcore_axis_name="s")
    UNROLL = 4

    @functools.partial(
        pl.kernel,
        mesh=mesh,
        out_type=jax.ShapeDtypeStruct((B, D, S), jnp.float32),
        scratch_types=[
            pltpu.VMEM((N,), jnp.int32),
            pltpu.VMEM((V,), jnp.float32),
            pltpu.VMEM((S,), jnp.float32),
            pltpu.VMEM((N,), jnp.float32),
            pltpu.SemaphoreType.DMA,
        ],
        compiler_params=pltpu.CompilerParams(
            use_tc_tiling_on_sc=True, needs_layout_passes=False
        ),
    )
    def emb(idx_hbm, tok_hbm, pos_hbm, out_hbm, idx_v, row_v, pos_v, out_v, sem):
        wid = lax.axis_index("s") * 2 + lax.axis_index("c")

        d0 = wid * RPW
        row_cp = pltpu.async_copy(tok_hbm.at[d0], row_v, sem)
        for b in range(B):
            pltpu.sync_copy(idx_hbm.at[b], idx_v.at[pl.ds(b * S, S)])

        for r in range(RPW):
            d = d0 + r
            pltpu.sync_copy(pos_hbm.at[d], pos_v)
            row_cp.wait()

            @plsc.parallel_loop(0, N // _LANES, 1, unroll=UNROLL)
            def gather_block(g):
                idx16 = idx_v[pl.ds(g * _LANES, _LANES)]
                vals = plsc.load_gather(row_v, [idx16])
                sg = lax.rem(g, S // _LANES)
                pos16 = pos_v[pl.ds(sg * _LANES, _LANES)]
                out_v[pl.ds(g * _LANES, _LANES)] = vals + pos16

            if r + 1 < RPW:
                row_cp = pltpu.async_copy(tok_hbm.at[d + 1], row_v, sem)
            for b in range(B):
                pltpu.sync_copy(out_v.at[pl.ds(b * S, S)], out_hbm.at[b, d])

    out = emb(inputs.astype(jnp.int32), tok_t, pos_t)
    return jnp.swapaxes(out, 1, 2)

# --- scband reference (transcript-rebuilt; emitter-appended) ---
"""Pipeline reference for scband-token-and-position-embedding-83425444757938 (READ-ONLY COPY).

The authoritative reference and input builder live on the scoring server;
editing this copy changes nothing except your own understanding.
"""

import jax, jax.numpy as jnp
import numpy as np

VOCAB = 100000
MAX_LEN = 2048
EMBED_DIM = 64
BATCH = 4
SEQ = 2048


def setup_inputs(seed: int = 0) -> dict:
    key = jax.random.key(seed)
    k1, k2, k3 = jax.random.split(key, 3)
    inputs = jax.random.randint(k1, (BATCH, SEQ), 0, VOCAB, dtype=jnp.int64 if jax.config.jax_enable_x64 else jnp.int32)
    token_table = jax.random.uniform(k2, (VOCAB, EMBED_DIM), dtype=jnp.float32, minval=-0.05, maxval=0.05)
    pos_table = jax.random.uniform(k3, (MAX_LEN, EMBED_DIM), dtype=jnp.float32, minval=-0.05, maxval=0.05)
    return {"inputs": inputs, "token_table": token_table, "pos_table": pos_table}


def reference(inputs, token_table, pos_table):
    seq_len = inputs.shape[-1]
    positions = jnp.arange(0, seq_len, dtype=jnp.int32)
    pos_emb = jnp.take(pos_table, positions, axis=0)  # [seq, d]
    tok_emb = jnp.take(token_table, inputs, axis=0)   # [B, seq, d]
    return tok_emb + pos_emb

if __name__ == "__main__":
    import jax
    _d = setup_inputs()
    print(jax.jit(kernel)(*tuple(_d.values())))

</pallas_src>

<mosaic_0001>
#map = affine_map<(d0, d1) -> (0, 0)>
#map1 = affine_map<(d0, d1) -> (0, 0, 0)>
module attributes {stable_mosaic.version = 14 : i64} {
  func.func @emb(%arg0: i32, %arg1: i32, %arg2: memref<4x2048xi32, #tpu.memory_space<hbm>>, %arg3: memref<64x100000xf32, #tpu.memory_space<hbm>>, %arg4: memref<64x2048xf32, #tpu.memory_space<hbm>>, %arg5: memref<4x64x2048xf32, #tpu.memory_space<hbm>>, %arg6: memref<8192xi32, #tpu.memory_space<vmem>>, %arg7: memref<100000xf32, #tpu.memory_space<vmem>>, %arg8: memref<2048xf32, #tpu.memory_space<vmem>>, %arg9: memref<8192xf32, #tpu.memory_space<vmem>>, %arg10: memref<!tpu.dma_semaphore, #tpu.memory_space<semaphore_mem>>) attributes {dimension_semantics = [#tpu.dimension_semantics<core_parallel>, #tpu.dimension_semantics<subcore_parallel>], iteration_bounds = array<i64: 2, 16>, scalar_prefetch = 0 : i64, scratch_operands = 5 : i64, tpu.core_type = #tpu.core_type<sc_vector_subcore>, window_params = [{transform_indices = #map}, {transform_indices = #map}, {transform_indices = #map}, {transform_indices = #map1}]} {
    %mul3A = arith.constant 2 : i32
    %mul3A_0 = arith.muli %arg1, %mul3A : i32
    %add3A = arith.addi %mul3A_0, %arg0 : i32
    %mul3A_1 = arith.constant 2 : i32
    %mul3A_2 = arith.muli %add3A, %mul3A_1 : i32
    %dma_start3A = arith.constant 0 : i32
    %dma_start3A_3 = tpu.memref_slice %arg3[%mul3A_2, %dma_start3A] : memref<64x100000xf32, #tpu.memory_space<hbm>> -> memref<1x100000xf32, #tpu.memory_space<hbm>>
    %dma_start3A_4 = tpu.memref_squeeze %dma_start3A_3 : memref<1x100000xf32, #tpu.memory_space<hbm>> -> memref<100000xf32, #tpu.memory_space<hbm>>
    %dma_start3A_5 = arith.constant 0 : i32
    %dma_start3A_6 = tpu.memref_slice %arg3[%mul3A_2, %dma_start3A_5] : memref<64x100000xf32, #tpu.memory_space<hbm>> -> memref<1x100000xf32, #tpu.memory_space<hbm>>
    %dma_start3A_7 = tpu.memref_squeeze %dma_start3A_6 : memref<1x100000xf32, #tpu.memory_space<hbm>> -> memref<100000xf32, #tpu.memory_space<hbm>>
    tpu.enqueue_dma source(%dma_start3A_7 : memref<100000xf32, #tpu.memory_space<hbm>>) target(%arg7 : memref<100000xf32, #tpu.memory_space<vmem>>) target_semaphore(%arg10 : memref<!tpu.dma_semaphore, #tpu.memory_space<semaphore_mem>>)
    %run_scoped3A = arith.constant 0 : i32
    "tpu.region"() ({
      %run_scoped3A_47 = tpu.sem_alloc : memref<!tpu.dma_semaphore, #tpu.memory_space<semaphore_mem>>
      %dma_start3A_48 = arith.constant 0 : i32
      %dma_start3A_49 = tpu.memref_slice %arg6[%dma_start3A_48] : memref<8192xi32, #tpu.memory_space<vmem>> -> memref<2048xi32, #tpu.memory_space<vmem>>
      %dma_start3A_50 = arith.constant 0 : i32
      %dma_start3A_51 = tpu.memref_slice %arg2[%run_scoped3A, %dma_start3A_50] : memref<4x2048xi32, #tpu.memory_space<hbm>> -> memref<1x2048xi32, #tpu.memory_space<hbm>>
      %dma_start3A_52 = tpu.memref_squeeze %dma_start3A_51 : memref<1x2048xi32, #tpu.memory_space<hbm>> -> memref<2048xi32, #tpu.memory_space<hbm>>
      %dma_start3A_53 = arith.constant 0 : i32
      %dma_start3A_54 = tpu.memref_slice %arg6[%dma_start3A_53] : memref<8192xi32, #tpu.memory_space<vmem>> -> memref<2048xi32, #tpu.memory_space<vmem>>
      %dma_start3A_55 = arith.constant 0 : i32
      %dma_start3A_56 = tpu.memref_slice %arg2[%run_scoped3A, %dma_start3A_55] : memref<4x2048xi32, #tpu.memory_space<hbm>> -> memref<1x2048xi32, #tpu.memory_space<hbm>>
      %dma_start3A_57 = tpu.memref_squeeze %dma_start3A_56 : memref<1x2048xi32, #tpu.memory_space<hbm>> -> memref<2048xi32, #tpu.memory_space<hbm>>
      tpu.enqueue_dma source(%dma_start3A_57 : memref<2048xi32, #tpu.memory_space<hbm>>) target(%dma_start3A_54 : memref<2048xi32, #tpu.memory_space<vmem>>) target_semaphore(%run_scoped3A_47 : memref<!tpu.dma_semaphore, #tpu.memory_space<semaphore_mem>>)
      %dma_wait3A_58 = arith.constant 0 : i32
      %dma_wait3A_59 = tpu.memref_slice %arg6[%dma_wait3A_58] : memref<8192xi32, #tpu.memory_space<vmem>> -> memref<2048xi32, #tpu.memory_space<vmem>>
      %dma_wait3A_60 = arith.constant 0 : i32
      %dma_wait3A_61 = tpu.memref_slice %arg2[%run_scoped3A, %dma_wait3A_60] : memref<4x2048xi32, #tpu.memory_space<hbm>> -> memref<1x2048xi32, #tpu.memory_space<hbm>>
      %dma_wait3A_62 = tpu.memref_squeeze %dma_wait3A_61 : memref<1x2048xi32, #tpu.memory_space<hbm>> -> memref<2048xi32, #tpu.memory_space<hbm>>
      %dma_wait3A_63 = arith.constant 0 : i32
      %dma_wait3A_64 = tpu.memref_slice %arg6[%dma_wait3A_63] : memref<8192xi32, #tpu.memory_space<vmem>> -> memref<2048xi32, #tpu.memory_space<vmem>>
      %dma_wait3A_65 = arith.constant 0 : i32
      %dma_wait3A_66 = tpu.memref_slice %arg2[%run_scoped3A, %dma_wait3A_65] : memref<4x2048xi32, #tpu.memory_space<hbm>> -> memref<1x2048xi32, #tpu.memory_space<hbm>>
      %dma_wait3A_67 = tpu.memref_squeeze %dma_wait3A_66 : memref<1x2048xi32, #tpu.memory_space<hbm>> -> memref<2048xi32, #tpu.memory_space<hbm>>
      tpu.wait_dma2 semaphore(%run_scoped3A_47 : memref<!tpu.dma_semaphore, #tpu.memory_space<semaphore_mem>>) src(%dma_wait3A_67 : memref<2048xi32, #tpu.memory_space<hbm>>) dst(%dma_wait3A_64 : memref<2048xi32, #tpu.memory_space<vmem>>)
      tpu.yield
    }) : () -> ()
    %run_scoped3A_8 = arith.constant 1 : i32
    "tpu.region"() ({
      %run_scoped3A_47 = tpu.sem_alloc : memref<!tpu.dma_semaphore, #tpu.memory_space<semaphore_mem>>
      %dma_start3A_48 = arith.constant 2048 : i32
      %dma_start3A_49 = tpu.memref_slice %arg6[%dma_start3A_48] : memref<8192xi32, #tpu.memory_space<vmem>> -> memref<2048xi32, #tpu.memory_space<vmem>>
      %dma_start3A_50 = arith.constant 0 : i32
      %dma_start3A_51 = tpu.memref_slice %arg2[%run_scoped3A_8, %dma_start3A_50] : memref<4x2048xi32, #tpu.memory_space<hbm>> -> memref<1x2048xi32, #tpu.memory_space<hbm>>
      %dma_start3A_52 = tpu.memref_squeeze %dma_start3A_51 : memref<1x2048xi32, #tpu.memory_space<hbm>> -> memref<2048xi32, #tpu.memory_space<hbm>>
      %dma_start3A_53 = arith.constant 2048 : i32
      %dma_start3A_54 = tpu.memref_slice %arg6[%dma_start3A_53] : memref<8192xi32, #tpu.memory_space<vmem>> -> memref<2048xi32, #tpu.memory_space<vmem>>
      %dma_start3A_55 = arith.constant 0 : i32
      %dma_start3A_56 = tpu.memref_slice %arg2[%run_scoped3A_8, %dma_start3A_55] : memref<4x2048xi32, #tpu.memory_space<hbm>> -> memref<1x2048xi32, #tpu.memory_space<hbm>>
      %dma_start3A_57 = tpu.memref_squeeze %dma_start3A_56 : memref<1x2048xi32, #tpu.memory_space<hbm>> -> memref<2048xi32, #tpu.memory_space<hbm>>
      tpu.enqueue_dma source(%dma_start3A_57 : memref<2048xi32, #tpu.memory_space<hbm>>) target(%dma_start3A_54 : memref<2048xi32, #tpu.memory_space<vmem>>) target_semaphore(%run_scoped3A_47 : memref<!tpu.dma_semaphore, #tpu.memory_space<semaphore_mem>>)
      %dma_wait3A_58 = arith.constant 2048 : i32
      %dma_wait3A_59 = tpu.memref_slice %arg6[%dma_wait3A_58] : memref<8192xi32, #tpu.memory_space<vmem>> -> memref<2048xi32, #tpu.memory_space<vmem>>
      %dma_wait3A_60 = arith.constant 0 : i32
      %dma_wait3A_61 = tpu.memref_slice %arg2[%run_scoped3A_8, %dma_wait3A_60] : memref<4x2048xi32, #tpu.memory_space<hbm>> -> memref<1x2048xi32, #tpu.memory_space<hbm>>
      %dma_wait3A_62 = tpu.memref_squeeze %dma_wait3A_61 : memref<1x2048xi32, #tpu.memory_space<hbm>> -> memref<2048xi32, #tpu.memory_space<hbm>>
      %dma_wait3A_63 = arith.constant 2048 : i32
      %dma_wait3A_64 = tpu.memref_slice %arg6[%dma_wait3A_63] : memref<8192xi32, #tpu.memory_space<vmem>> -> memref<2048xi32, #tpu.memory_space<vmem>>
      %dma_wait3A_65 = arith.constant 0 : i32
      %dma_wait3A_66 = tpu.memref_slice %arg2[%run_scoped3A_8, %dma_wait3A_65] : memref<4x2048xi32, #tpu.memory_space<hbm>> -> memref<1x2048xi32, #tpu.memory_space<hbm>>
      %dma_wait3A_67 = tpu.memref_squeeze %dma_wait3A_66 : memref<1x2048xi32, #tpu.memory_space<hbm>> -> memref<2048xi32, #tpu.memory_space<hbm>>
      tpu.wait_dma2 semaphore(%run_scoped3A_47 : memref<!tpu.dma_semaphore, #tpu.memory_space<semaphore_mem>>) src(%dma_wait3A_67 : memref<2048xi32, #tpu.memory_space<hbm>>) dst(%dma_wait3A_64 : memref<2048xi32, #tpu.memory_space<vmem>>)
      tpu.yield
    }) : () -> ()
    %run_scoped3A_9 = arith.constant 2 : i32
    "tpu.region"() ({
      %run_scoped3A_47 = tpu.sem_alloc : memref<!tpu.dma_semaphore, #tpu.memory_space<semaphore_mem>>
      %dma_start3A_48 = arith.constant 4096 : i32
      %dma_start3A_49 = tpu.memref_slice %arg6[%dma_start3A_48] : memref<8192xi32, #tpu.memory_space<vmem>> -> memref<2048xi32, #tpu.memory_space<vmem>>
      %dma_start3A_50 = arith.constant 0 : i32
      %dma_start3A_51 = tpu.memref_slice %arg2[%run_scoped3A_9, %dma_start3A_50] : memref<4x2048xi32, #tpu.memory_space<hbm>> -> memref<1x2048xi32, #tpu.memory_space<hbm>>
      %dma_start3A_52 = tpu.memref_squeeze %dma_start3A_51 : memref<1x2048xi32, #tpu.memory_space<hbm>> -> memref<2048xi32, #tpu.memory_space<hbm>>
      %dma_start3A_53 = arith.constant 4096 : i32
      %dma_start3A_54 = tpu.memref_slice %arg6[%dma_start3A_53] : memref<8192xi32, #tpu.memory_space<vmem>> -> memref<2048xi32, #tpu.memory_space<vmem>>
      %dma_start3A_55 = arith.constant 0 : i32
      %dma_start3A_56 = tpu.memref_slice %arg2[%run_scoped3A_9, %dma_start3A_55] : memref<4x2048xi32, #tpu.memory_space<hbm>> -> memref<1x2048xi32, #tpu.memory_space<hbm>>
      %dma_start3A_57 = tpu.memref_squeeze %dma_start3A_56 : memref<1x2048xi32, #tpu.memory_space<hbm>> -> memref<2048xi32, #tpu.memory_space<hbm>>
      tpu.enqueue_dma source(%dma_start3A_57 : memref<2048xi32, #tpu.memory_space<hbm>>) target(%dma_start3A_54 : memref<2048xi32, #tpu.memory_space<vmem>>) target_semaphore(%run_scoped3A_47 : memref<!tpu.dma_semaphore, #tpu.memory_space<semaphore_mem>>)
      %dma_wait3A_58 = arith.constant 4096 : i32
      %dma_wait3A_59 = tpu.memref_slice %arg6[%dma_wait3A_58] : memref<8192xi32, #tpu.memory_space<vmem>> -> memref<2048xi32, #tpu.memory_space<vmem>>
      %dma_wait3A_60 = arith.constant 0 : i32
      %dma_wait3A_61 = tpu.memref_slice %arg2[%run_scoped3A_9, %dma_wait3A_60] : memref<4x2048xi32, #tpu.memory_space<hbm>> -> memref<1x2048xi32, #tpu.memory_space<hbm>>
      %dma_wait3A_62 = tpu.memref_squeeze %dma_wait3A_61 : memref<1x2048xi32, #tpu.memory_space<hbm>> -> memref<2048xi32, #tpu.memory_space<hbm>>
      %dma_wait3A_63 = arith.constant 4096 : i32
      %dma_wait3A_64 = tpu.memref_slice %arg6[%dma_wait3A_63] : memref<8192xi32, #tpu.memory_space<vmem>> -> memref<2048xi32, #tpu.memory_space<vmem>>
      %dma_wait3A_65 = arith.constant 0 : i32
      %dma_wait3A_66 = tpu.memref_slice %arg2[%run_scoped3A_9, %dma_wait3A_65] : memref<4x2048xi32, #tpu.memory_space<hbm>> -> memref<1x2048xi32, #tpu.memory_space<hbm>>
      %dma_wait3A_67 = tpu.memref_squeeze %dma_wait3A_66 : memref<1x2048xi32, #tpu.memory_space<hbm>> -> memref<2048xi32, #tpu.memory_space<hbm>>
      tpu.wait_dma2 semaphore(%run_scoped3A_47 : memref<!tpu.dma_semaphore, #tpu.memory_space<semaphore_mem>>) src(%dma_wait3A_67 : memref<2048xi32, #tpu.memory_space<hbm>>) dst(%dma_wait3A_64 : memref<2048xi32, #tpu.memory_space<vmem>>)
      tpu.yield
    }) : () -> ()
    %run_scoped3A_10 = arith.constant 3 : i32
    "tpu.region"() ({
      %run_scoped3A_47 = tpu.sem_alloc : memref<!tpu.dma_semaphore, #tpu.memory_space<semaphore_mem>>
      %dma_start3A_48 = arith.constant 6144 : i32
      %dma_start3A_49 = tpu.memref_slice %arg6[%dma_start3A_48] : memref<8192xi32, #tpu.memory_space<vmem>> -> memref<2048xi32, #tpu.memory_space<vmem>>
      %dma_start3A_50 = arith.constant 0 : i32
      %dma_start3A_51 = tpu.memref_slice %arg2[%run_scoped3A_10, %dma_start3A_50] : memref<4x2048xi32, #tpu.memory_space<hbm>> -> memref<1x2048xi32, #tpu.memory_space<hbm>>
      %dma_start3A_52 = tpu.memref_squeeze %dma_start3A_51 : memref<1x2048xi32, #tpu.memory_space<hbm>> -> memref<2048xi32, #tpu.memory_space<hbm>>
      %dma_start3A_53 = arith.constant 6144 : i32
      %dma_start3A_54 = tpu.memref_slice %arg6[%dma_start3A_53] : memref<8192xi32, #tpu.memory_space<vmem>> -> memref<2048xi32, #tpu.memory_space<vmem>>
      %dma_start3A_55 = arith.constant 0 : i32
      %dma_start3A_56 = tpu.memref_slice %arg2[%run_scoped3A_10, %dma_start3A_55] : memref<4x2048xi32, #tpu.memory_space<hbm>> -> memref<1x2048xi32, #tpu.memory_space<hbm>>
      %dma_start3A_57 = tpu.memref_squeeze %dma_start3A_56 : memref<1x2048xi32, #tpu.memory_space<hbm>> -> memref<2048xi32, #tpu.memory_space<hbm>>
      tpu.enqueue_dma source(%dma_start3A_57 : memref<2048xi32, #tpu.memory_space<hbm>>) target(%dma_start3A_54 : memref<2048xi32, #tpu.memory_space<vmem>>) target_semaphore(%run_scoped3A_47 : memref<!tpu.dma_semaphore, #tpu.memory_space<semaphore_mem>>)
      %dma_wait3A_58 = arith.constant 6144 : i32
      %dma_wait3A_59 = tpu.memref_slice %arg6[%dma_wait3A_58] : memref<8192xi32, #tpu.memory_space<vmem>> -> memref<2048xi32, #tpu.memory_space<vmem>>
      %dma_wait3A_60 = arith.constant 0 : i32
      %dma_wait3A_61 = tpu.memref_slice %arg2[%run_scoped3A_10, %dma_wait3A_60] : memref<4x2048xi32, #tpu.memory_space<hbm>> -> memref<1x2048xi32, #tpu.memory_space<hbm>>
      %dma_wait3A_62 = tpu.memref_squeeze %dma_wait3A_61 : memref<1x2048xi32, #tpu.memory_space<hbm>> -> memref<2048xi32, #tpu.memory_space<hbm>>
      %dma_wait3A_63 = arith.constant 6144 : i32
      %dma_wait3A_64 = tpu.memref_slice %arg6[%dma_wait3A_63] : memref<8192xi32, #tpu.memory_space<vmem>> -> memref<2048xi32, #tpu.memory_space<vmem>>
      %dma_wait3A_65 = arith.constant 0 : i32
      %dma_wait3A_66 = tpu.memref_slice %arg2[%run_scoped3A_10, %dma_wait3A_65] : memref<4x2048xi32, #tpu.memory_space<hbm>> -> memref<1x2048xi32, #tpu.memory_space<hbm>>
      %dma_wait3A_67 = tpu.memref_squeeze %dma_wait3A_66 : memref<1x2048xi32, #tpu.memory_space<hbm>> -> memref<2048xi32, #tpu.memory_space<hbm>>
      tpu.wait_dma2 semaphore(%run_scoped3A_47 : memref<!tpu.dma_semaphore, #tpu.memory_space<semaphore_mem>>) src(%dma_wait3A_67 : memref<2048xi32, #tpu.memory_space<hbm>>) dst(%dma_wait3A_64 : memref<2048xi32, #tpu.memory_space<vmem>>)
      tpu.yield
    }) : () -> ()
    %add3A_11 = arith.constant 0 : i32
    %add3A_12 = arith.addi %mul3A_2, %add3A_11 : i32
    "tpu.region"() ({
      %run_scoped3A_47 = tpu.sem_alloc : memref<!tpu.dma_semaphore, #tpu.memory_space<semaphore_mem>>
      %dma_start3A_48 = arith.constant 0 : i32
      %dma_start3A_49 = tpu.memref_slice %arg4[%add3A_12, %dma_start3A_48] : memref<64x2048xf32, #tpu.memory_space<hbm>> -> memref<1x2048xf32, #tpu.memory_space<hbm>>
      %dma_start3A_50 = tpu.memref_squeeze %dma_start3A_49 : memref<1x2048xf32, #tpu.memory_space<hbm>> -> memref<2048xf32, #tpu.memory_space<hbm>>
      %dma_start3A_51 = arith.constant 0 : i32
      %dma_start3A_52 = tpu.memref_slice %arg4[%add3A_12, %dma_start3A_51] : memref<64x2048xf32, #tpu.memory_space<hbm>> -> memref<1x2048xf32, #tpu.memory_space<hbm>>
      %dma_start3A_53 = tpu.memref_squeeze %dma_start3A_52 : memref<1x2048xf32, #tpu.memory_space<hbm>> -> memref<2048xf32, #tpu.memory_space<hbm>>
      tpu.enqueue_dma source(%dma_start3A_53 : memref<2048xf32, #tpu.memory_space<hbm>>) target(%arg8 : memref<2048xf32, #tpu.memory_space<vmem>>) target_semaphore(%run_scoped3A_47 : memref<!tpu.dma_semaphore, #tpu.memory_space<semaphore_mem>>)
      %dma_wait3A_54 = arith.constant 0 : i32
      %dma_wait3A_55 = tpu.memref_slice %arg4[%add3A_12, %dma_wait3A_54] : memref<64x2048xf32, #tpu.memory_space<hbm>> -> memref<1x2048xf32, #tpu.memory_space<hbm>>
      %dma_wait3A_56 = tpu.memref_squeeze %dma_wait3A_55 : memref<1x2048xf32, #tpu.memory_space<hbm>> -> memref<2048xf32, #tpu.memory_space<hbm>>
      %dma_wait3A_57 = arith.constant 0 : i32
      %dma_wait3A_58 = tpu.memref_slice %arg4[%add3A_12, %dma_wait3A_57] : memref<64x2048xf32, #tpu.memory_space<hbm>> -> memref<1x2048xf32, #tpu.memory_space<hbm>>
      %dma_wait3A_59 = tpu.memref_squeeze %dma_wait3A_58 : memref<1x2048xf32, #tpu.memory_space<hbm>> -> memref<2048xf32, #tpu.memory_space<hbm>>
      tpu.wait_dma2 semaphore(%run_scoped3A_47 : memref<!tpu.dma_semaphore, #tpu.memory_space<semaphore_mem>>) src(%dma_wait3A_59 : memref<2048xf32, #tpu.memory_space<hbm>>) dst(%arg8 : memref<2048xf32, #tpu.memory_space<vmem>>)
      tpu.yield
    }) : () -> ()
    %dma_wait3A = arith.constant 0 : i32
    %dma_wait3A_13 = tpu.memref_slice %arg3[%mul3A_2, %dma_wait3A] : memref<64x100000xf32, #tpu.memory_space<hbm>> -> memref<1x100000xf32, #tpu.memory_space<hbm>>
    %dma_wait3A_14 = tpu.memref_squeeze %dma_wait3A_13 : memref<1x100000xf32, #tpu.memory_space<hbm>> -> memref<100000xf32, #tpu.memory_space<hbm>>
    %dma_wait3A_15 = arith.constant 0 : i32
    %dma_wait3A_16 = tpu.memref_slice %arg3[%mul3A_2, %dma_wait3A_15] : memref<64x100000xf32, #tpu.memory_space<hbm>> -> memref<1x100000xf32, #tpu.memory_space<hbm>>
    %dma_wait3A_17 = tpu.memref_squeeze %dma_wait3A_16 : memref<1x100000xf32, #tpu.memory_space<hbm>> -> memref<100000xf32, #tpu.memory_space<hbm>>
    tpu.wait_dma2 semaphore(%arg10 : memref<!tpu.dma_semaphore, #tpu.memory_space<semaphore_mem>>) src(%dma_wait3A_17 : memref<100000xf32, #tpu.memory_space<hbm>>) dst(%arg7 : memref<100000xf32, #tpu.memory_space<vmem>>)
    %parallel_loop3A = arith.constant 0 : i32
    %parallel_loop3A_18 = arith.constant 512 : i32
    %parallel_loop3A_19 = arith.constant 1 : i32
    scf.for %parallel_loop3A_47 = %parallel_loop3A to %parallel_loop3A_18 step %parallel_loop3A_19  : i32 {
      %parallel_loop3A_48 = arith.constant 16 : i32
      %parallel_loop3A_49 = arith.muli %parallel_loop3A_47, %parallel_loop3A_48 : i32
      %parallel_loop3A_50 = arith.index_cast %parallel_loop3A_49 : i32 to index
      %parallel_loop3A_51 = tpu.vector_load %arg6[%parallel_loop3A_50] {strides = array<i32>} : memref<8192xi32, #tpu.memory_space<vmem>>, vector<16xi32>,
      %parallel_loop3A_52 = tpu.vector_load_idx %arg7[%parallel_loop3A_51] : memref<100000xf32, #tpu.memory_space<vmem>>[vector<16xi32>], vector<16xf32>,
      %parallel_loop3A_53 = arith.constant 128 : i32
      %parallel_loop3A_54 = arith.remsi %parallel_loop3A_47, %parallel_loop3A_53 : i32
      %parallel_loop3A_55 = arith.constant 16 : i32
      %parallel_loop3A_56 = arith.muli %parallel_loop3A_54, %parallel_loop3A_55 : i32
      %parallel_loop3A_57 = arith.index_cast %parallel_loop3A_56 : i32 to index
      %parallel_loop3A_58 = tpu.vector_load %arg8[%parallel_loop3A_57] {strides = array<i32>} : memref<2048xf32, #tpu.memory_space<vmem>>, vector<16xf32>,
      %parallel_loop3A_59 = arith.addf %parallel_loop3A_52, %parallel_loop3A_58 : vector<16xf32>
      %parallel_loop3A_60 = arith.constant 16 : i32
      %parallel_loop3A_61 = arith.muli %parallel_loop3A_47, %parallel_loop3A_60 : i32
      %parallel_loop3A_62 = arith.index_cast %parallel_loop3A_61 : i32 to index
      %parallel_loop3A_63 = tpu.vector_load %arg9[%parallel_loop3A_62] {strides = array<i32>} : memref<8192xf32, #tpu.memory_space<vmem>>, vector<16xf32>,
      tpu.vector_store %arg9[%parallel_loop3A_62], %parallel_loop3A_59 {strides = array<i32>} : memref<8192xf32, #tpu.memory_space<vmem>>, vector<16xf32>,
    } {sc.loop_unroll_factor = 4 : i64, sc.parallel_access}
    %add3A_20 = arith.constant 1 : i32
    %add3A_21 = arith.addi %add3A_12, %add3A_20 : i32
    %dma_start3A_22 = arith.constant 0 : i32
    %dma_start3A_23 = tpu.memref_slice %arg3[%add3A_21, %dma_start3A_22] : memref<64x100000xf32, #tpu.memory_space<hbm>> -> memref<1x100000xf32, #tpu.memory_space<hbm>>
    %dma_start3A_24 = tpu.memref_squeeze %dma_start3A_23 : memref<1x100000xf32, #tpu.memory_space<hbm>> -> memref<100000xf32, #tpu.memory_space<hbm>>
    %dma_start3A_25 = arith.constant 0 : i32
    %dma_start3A_26 = tpu.memref_slice %arg3[%add3A_21, %dma_start3A_25] : memref<64x100000xf32, #tpu.memory_space<hbm>> -> memref<1x100000xf32, #tpu.memory_space<hbm>>
    %dma_start3A_27 = tpu.memref_squeeze %dma_start3A_26 : memref<1x100000xf32, #tpu.memory_space<hbm>> -> memref<100000xf32, #tpu.memory_space<hbm>>
    tpu.enqueue_dma source(%dma_start3A_27 : memref<100000xf32, #tpu.memory_space<hbm>>) target(%arg7 : memref<100000xf32, #tpu.memory_space<vmem>>) target_semaphore(%arg10 : memref<!tpu.dma_semaphore, #tpu.memory_space<semaphore_mem>>)
    %run_scoped3A_28 = arith.constant 0 : i32
    "tpu.region"() ({
      %run_scoped3A_47 = tpu.sem_alloc : memref<!tpu.dma_semaphore, #tpu.memory_space<semaphore_mem>>
      %dma_start3A_48 = arith.constant 0 : i32
      %dma_start3A_49 = tpu.memref_slice %arg9[%dma_start3A_48] : memref<8192xf32, #tpu.memory_space<vmem>> -> memref<2048xf32, #tpu.memory_space<vmem>>
      %dma_start3A_50 = arith.constant 0 : i32
      %dma_start3A_51 = tpu.memref_slice %arg5[%run_scoped3A_28, %add3A_12, %dma_start3A_50] : memref<4x64x2048xf32, #tpu.memory_space<hbm>> -> memref<1x1x2048xf32, #tpu.memory_space<hbm>>
      %dma_start3A_52 = tpu.memref_squeeze %dma_start3A_51 : memref<1x1x2048xf32, #tpu.memory_space<hbm>> -> memref<2048xf32, #tpu.memory_space<hbm>>
      %dma_start3A_53 = arith.constant 0 : i32
      %dma_start3A_54 = tpu.memref_slice %arg5[%run_scoped3A_28, %add3A_12, %dma_start3A_53] : memref<4x64x2048xf32, #tpu.memory_space<hbm>> -> memref<1x1x2048xf32, #tpu.memory_space<hbm>>
      %dma_start3A_55 = tpu.memref_squeeze %dma_start3A_54 : memref<1x1x2048xf32, #tpu.memory_space<hbm>> -> memref<2048xf32, #tpu.memory_space<hbm>>
      %dma_start3A_56 = arith.constant 0 : i32
      %dma_start3A_57 = tpu.memref_slice %arg9[%dma_start3A_56] : memref<8192xf32, #tpu.memory_space<vmem>> -> memref<2048xf32, #tpu.memory_space<vmem>>
      tpu.enqueue_dma source(%dma_start3A_57 : memref<2048xf32, #tpu.memory_space<vmem>>) target(%dma_start3A_55 : memref<2048xf32, #tpu.memory_space<hbm>>) target_semaphore(%run_scoped3A_47 : memref<!tpu.dma_semaphore, #tpu.memory_space<semaphore_mem>>)
      %dma_wait3A_58 = arith.constant 0 : i32
      %dma_wait3A_59 = tpu.memref_slice %arg9[%dma_wait3A_58] : memref<8192xf32, #tpu.memory_space<vmem>> -> memref<2048xf32, #tpu.memory_space<vmem>>
      %dma_wait3A_60 = arith.constant 0 : i32
      %dma_wait3A_61 = tpu.memref_slice %arg5[%run_scoped3A_28, %add3A_12, %dma_wait3A_60] : memref<4x64x2048xf32, #tpu.memory_space<hbm>> -> memref<1x1x2048xf32, #tpu.memory_space<hbm>>
      %dma_wait3A_62 = tpu.memref_squeeze %dma_wait3A_61 : memref<1x1x2048xf32, #tpu.memory_space<hbm>> -> memref<2048xf32, #tpu.memory_space<hbm>>
      %dma_wait3A_63 = arith.constant 0 : i32
      %dma_wait3A_64 = tpu.memref_slice %arg5[%run_scoped3A_28, %add3A_12, %dma_wait3A_63] : memref<4x64x2048xf32, #tpu.memory_space<hbm>> -> memref<1x1x2048xf32, #tpu.memory_space<hbm>>
      %dma_wait3A_65 = tpu.memref_squeeze %dma_wait3A_64 : memref<1x1x2048xf32, #tpu.memory_space<hbm>> -> memref<2048xf32, #tpu.memory_space<hbm>>
      %dma_wait3A_66 = arith.constant 0 : i32
      %dma_wait3A_67 = tpu.memref_slice %arg9[%dma_wait3A_66] : memref<8192xf32, #tpu.memory_space<vmem>> -> memref<2048xf32, #tpu.memory_space<vmem>>
      tpu.wait_dma2 semaphore(%run_scoped3A_47 : memref<!tpu.dma_semaphore, #tpu.memory_space<semaphore_mem>>) src(%dma_wait3A_67 : memref<2048xf32, #tpu.memory_space<vmem>>) dst(%dma_wait3A_65 : memref<2048xf32, #tpu.memory_space<hbm>>)
      tpu.yield
    }) : () -> ()
    %run_scoped3A_29 = arith.constant 1 : i32
    "tpu.region"() ({
      %run_scoped3A_47 = tpu.sem_alloc : memref<!tpu.dma_semaphore, #tpu.memory_space<semaphore_mem>>
      %dma_start3A_48 = arith.constant 2048 : i32
      %dma_start3A_49 = tpu.memref_slice %arg9[%dma_start3A_48] : memref<8192xf32, #tpu.memory_space<vmem>> -> memref<2048xf32, #tpu.memory_space<vmem>>
      %dma_start3A_50 = arith.constant 0 : i32
      %dma_start3A_51 = tpu.memref_slice %arg5[%run_scoped3A_29, %add3A_12, %dma_start3A_50] : memref<4x64x2048xf32, #tpu.memory_space<hbm>> -> memref<1x1x2048xf32, #tpu.memory_space<hbm>>
      %dma_start3A_52 = tpu.memref_squeeze %dma_start3A_51 : memref<1x1x2048xf32, #tpu.memory_space<hbm>> -> memref<2048xf32, #tpu.memory_space<hbm>>
      %dma_start3A_53 = arith.constant 0 : i32
      %dma_start3A_54 = tpu.memref_slice %arg5[%run_scoped3A_29, %add3A_12, %dma_start3A_53] : memref<4x64x2048xf32, #tpu.memory_space<hbm>> -> memref<1x1x2048xf32, #tpu.memory_space<hbm>>
      %dma_start3A_55 = tpu.memref_squeeze %dma_start3A_54 : memref<1x1x2048xf32, #tpu.memory_space<hbm>> -> memref<2048xf32, #tpu.memory_space<hbm>>
      %dma_start3A_56 = arith.constant 2048 : i32
      %dma_start3A_57 = tpu.memref_slice %arg9[%dma_start3A_56] : memref<8192xf32, #tpu.memory_space<vmem>> -> memref<2048xf32, #tpu.memory_space<vmem>>
      tpu.enqueue_dma source(%dma_start3A_57 : memref<2048xf32, #tpu.memory_space<vmem>>) target(%dma_start3A_55 : memref<2048xf32, #tpu.memory_space<hbm>>) target_semaphore(%run_scoped3A_47 : memref<!tpu.dma_semaphore, #tpu.memory_space<semaphore_mem>>)
      %dma_wait3A_58 = arith.constant 2048 : i32
      %dma_wait3A_59 = tpu.memref_slice %arg9[%dma_wait3A_58] : memref<8192xf32, #tpu.memory_space<vmem>> -> memref<2048xf32, #tpu.memory_space<vmem>>
      %dma_wait3A_60 = arith.constant 0 : i32
      %dma_wait3A_61 = tpu.memref_slice %arg5[%run_scoped3A_29, %add3A_12, %dma_wait3A_60] : memref<4x64x2048xf32, #tpu.memory_space<hbm>> -> memref<1x1x2048xf32, #tpu.memory_space<hbm>>
      %dma_wait3A_62 = tpu.memref_squeeze %dma_wait3A_61 : memref<1x1x2048xf32, #tpu.memory_space<hbm>> -> memref<2048xf32, #tpu.memory_space<hbm>>
      %dma_wait3A_63 = arith.constant 0 : i32
      %dma_wait3A_64 = tpu.memref_slice %arg5[%run_scoped3A_29, %add3A_12, %dma_wait3A_63] : memref<4x64x2048xf32, #tpu.memory_space<hbm>> -> memref<1x1x2048xf32, #tpu.memory_space<hbm>>
      %dma_wait3A_65 = tpu.memref_squeeze %dma_wait3A_64 : memref<1x1x2048xf32, #tpu.memory_space<hbm>> -> memref<2048xf32, #tpu.memory_space<hbm>>
      %dma_wait3A_66 = arith.constant 2048 : i32
      %dma_wait3A_67 = tpu.memref_slice %arg9[%dma_wait3A_66] : memref<8192xf32, #tpu.memory_space<vmem>> -> memref<2048xf32, #tpu.memory_space<vmem>>
      tpu.wait_dma2 semaphore(%run_scoped3A_47 : memref<!tpu.dma_semaphore, #tpu.memory_space<semaphore_mem>>) src(%dma_wait3A_67 : memref<2048xf32, #tpu.memory_space<vmem>>) dst(%dma_wait3A_65 : memref<2048xf32, #tpu.memory_space<hbm>>)
      tpu.yield
    }) : () -> ()
    %run_scoped3A_30 = arith.constant 2 : i32
    "tpu.region"() ({
      %run_scoped3A_47 = tpu.sem_alloc : memref<!tpu.dma_semaphore, #tpu.memory_space<semaphore_mem>>
      %dma_start3A_48 = arith.constant 4096 : i32
      %dma_start3A_49 = tpu.memref_slice %arg9[%dma_start3A_48] : memref<8192xf32, #tpu.memory_space<vmem>> -> memref<2048xf32, #tpu.memory_space<vmem>>
      %dma_start3A_50 = arith.constant 0 : i32
      %dma_start3A_51 = tpu.memref_slice %arg5[%run_scoped3A_30, %add3A_12, %dma_start3A_50] : memref<4x64x2048xf32, #tpu.memory_space<hbm>> -> memref<1x1x2048xf32, #tpu.memory_space<hbm>>
      %dma_start3A_52 = tpu.memref_squeeze %dma_start3A_51 : memref<1x1x2048xf32, #tpu.memory_space<hbm>> -> memref<2048xf32, #tpu.memory_space<hbm>>
      %dma_start3A_53 = arith.constant 0 : i32
      %dma_start3A_54 = tpu.memref_slice %arg5[%run_scoped3A_30, %add3A_12, %dma_start3A_53] : memref<4x64x2048xf32, #tpu.memory_space<hbm>> -> memref<1x1x2048xf32, #tpu.memory_space<hbm>>
      %dma_start3A_55 = tpu.memref_squeeze %dma_start3A_54 : memref<1x1x2048xf32, #tpu.memory_space<hbm>> -> memref<2048xf32, #tpu.memory_space<hbm>>
      %dma_start3A_56 = arith.constant 4096 : i32
      %dma_start3A_57 = tpu.memref_slice %arg9[%dma_start3A_56] : memref<8192xf32, #tpu.memory_space<vmem>> -> memref<2048xf32, #tpu.memory_space<vmem>>
      tpu.enqueue_dma source(%dma_start3A_57 : memref<2048xf32, #tpu.memory_space<vmem>>) target(%dma_start3A_55 : memref<2048xf32, #tpu.memory_space<hbm>>) target_semaphore(%run_scoped3A_47 : memref<!tpu.dma_semaphore, #tpu.memory_space<semaphore_mem>>)
      %dma_wait3A_58 = arith.constant 4096 : i32
      %dma_wait3A_59 = tpu.memref_slice %arg9[%dma_wait3A_58] : memref<8192xf32, #tpu.memory_space<vmem>> -> memref<2048xf32, #tpu.memory_space<vmem>>
      %dma_wait3A_60 = arith.constant 0 : i32
      %dma_wait3A_61 = tpu.memref_slice %arg5[%run_scoped3A_30, %add3A_12, %dma_wait3A_60] : memref<4x64x2048xf32, #tpu.memory_space<hbm>> -> memref<1x1x2048xf32, #tpu.memory_space<hbm>>
      %dma_wait3A_62 = tpu.memref_squeeze %dma_wait3A_61 : memref<1x1x2048xf32, #tpu.memory_space<hbm>> -> memref<2048xf32, #tpu.memory_space<hbm>>
      %dma_wait3A_63 = arith.constant 0 : i32
      %dma_wait3A_64 = tpu.memref_slice %arg5[%run_scoped3A_30, %add3A_12, %dma_wait3A_63] : memref<4x64x2048xf32, #tpu.memory_space<hbm>> -> memref<1x1x2048xf32, #tpu.memory_space<hbm>>
      %dma_wait3A_65 = tpu.memref_squeeze %dma_wait3A_64 : memref<1x1x2048xf32, #tpu.memory_space<hbm>> -> memref<2048xf32, #tpu.memory_space<hbm>>
      %dma_wait3A_66 = arith.constant 4096 : i32
      %dma_wait3A_67 = tpu.memref_slice %arg9[%dma_wait3A_66] : memref<8192xf32, #tpu.memory_space<vmem>> -> memref<2048xf32, #tpu.memory_space<vmem>>
      tpu.wait_dma2 semaphore(%run_scoped3A_47 : memref<!tpu.dma_semaphore, #tpu.memory_space<semaphore_mem>>) src(%dma_wait3A_67 : memref<2048xf32, #tpu.memory_space<vmem>>) dst(%dma_wait3A_65 : memref<2048xf32, #tpu.memory_space<hbm>>)
      tpu.yield
    }) : () -> ()
    %run_scoped3A_31 = arith.constant 3 : i32
    "tpu.region"() ({
      %run_scoped3A_47 = tpu.sem_alloc : memref<!tpu.dma_semaphore, #tpu.memory_space<semaphore_mem>>
      %dma_start3A_48 = arith.constant 6144 : i32
      %dma_start3A_49 = tpu.memref_slice %arg9[%dma_start3A_48] : memref<8192xf32, #tpu.memory_space<vmem>> -> memref<2048xf32, #tpu.memory_space<vmem>>
      %dma_start3A_50 = arith.constant 0 : i32
      %dma_start3A_51 = tpu.memref_slice %arg5[%run_scoped3A_31, %add3A_12, %dma_start3A_50] : memref<4x64x2048xf32, #tpu.memory_space<hbm>> -> memref<1x1x2048xf32, #tpu.memory_space<hbm>>
      %dma_start3A_52 = tpu.memref_squeeze %dma_start3A_51 : memref<1x1x2048xf32, #tpu.memory_space<hbm>> -> memref<2048xf32, #tpu.memory_space<hbm>>
      %dma_start3A_53 = arith.constant 0 : i32
      %dma_start3A_54 = tpu.memref_slice %arg5[%run_scoped3A_31, %add3A_12, %dma_start3A_53] : memref<4x64x2048xf32, #tpu.memory_space<hbm>> -> memref<1x1x2048xf32, #tpu.memory_space<hbm>>
      %dma_start3A_55 = tpu.memref_squeeze %dma_start3A_54 : memref<1x1x2048xf32, #tpu.memory_space<hbm>> -> memref<2048xf32, #tpu.memory_space<hbm>>
      %dma_start3A_56 = arith.constant 6144 : i32
      %dma_start3A_57 = tpu.memref_slice %arg9[%dma_start3A_56] : memref<8192xf32, #tpu.memory_space<vmem>> -> memref<2048xf32, #tpu.memory_space<vmem>>
      tpu.enqueue_dma source(%dma_start3A_57 : memref<2048xf32, #tpu.memory_space<vmem>>) target(%dma_start3A_55 : memref<2048xf32, #tpu.memory_space<hbm>>) target_semaphore(%run_scoped3A_47 : memref<!tpu.dma_semaphore, #tpu.memory_space<semaphore_mem>>)
      %dma_wait3A_58 = arith.constant 6144 : i32
      %dma_wait3A_59 = tpu.memref_slice %arg9[%dma_wait3A_58] : memref<8192xf32, #tpu.memory_space<vmem>> -> memref<2048xf32, #tpu.memory_space<vmem>>
      %dma_wait3A_60 = arith.constant 0 : i32
      %dma_wait3A_61 = tpu.memref_slice %arg5[%run_scoped3A_31, %add3A_12, %dma_wait3A_60] : memref<4x64x2048xf32, #tpu.memory_space<hbm>> -> memref<1x1x2048xf32, #tpu.memory_space<hbm>>
      %dma_wait3A_62 = tpu.memref_squeeze %dma_wait3A_61 : memref<1x1x2048xf32, #tpu.memory_space<hbm>> -> memref<2048xf32, #tpu.memory_space<hbm>>
      %dma_wait3A_63 = arith.constant 0 : i32
      %dma_wait3A_64 = tpu.memref_slice %arg5[%run_scoped3A_31, %add3A_12, %dma_wait3A_63] : memref<4x64x2048xf32, #tpu.memory_space<hbm>> -> memref<1x1x2048xf32, #tpu.memory_space<hbm>>
      %dma_wait3A_65 = tpu.memref_squeeze %dma_wait3A_64 : memref<1x1x2048xf32, #tpu.memory_space<hbm>> -> memref<2048xf32, #tpu.memory_space<hbm>>
      %dma_wait3A_66 = arith.constant 6144 : i32
      %dma_wait3A_67 = tpu.memref_slice %arg9[%dma_wait3A_66] : memref<8192xf32, #tpu.memory_space<vmem>> -> memref<2048xf32, #tpu.memory_space<vmem>>
      tpu.wait_dma2 semaphore(%run_scoped3A_47 : memref<!tpu.dma_semaphore, #tpu.memory_space<semaphore_mem>>) src(%dma_wait3A_67 : memref<2048xf32, #tpu.memory_space<vmem>>) dst(%dma_wait3A_65 : memref<2048xf32, #tpu.memory_space<hbm>>)
      tpu.yield
    }) : () -> ()
    %add3A_32 = arith.constant 1 : i32
    %add3A_33 = arith.addi %mul3A_2, %add3A_32 : i32
    "tpu.region"() ({
      %run_scoped3A_47 = tpu.sem_alloc : memref<!tpu.dma_semaphore, #tpu.memory_space<semaphore_mem>>
      %dma_start3A_48 = arith.constant 0 : i32
      %dma_start3A_49 = tpu.memref_slice %arg4[%add3A_33, %dma_start3A_48] : memref<64x2048xf32, #tpu.memory_space<hbm>> -> memref<1x2048xf32, #tpu.memory_space<hbm>>
      %dma_start3A_50 = tpu.memref_squeeze %dma_start3A_49 : memref<1x2048xf32, #tpu.memory_space<hbm>> -> memref<2048xf32, #tpu.memory_space<hbm>>
      %dma_start3A_51 = arith.constant 0 : i32
      %dma_start3A_52 = tpu.memref_slice %arg4[%add3A_33, %dma_start3A_51] : memref<64x2048xf32, #tpu.memory_space<hbm>> -> memref<1x2048xf32, #tpu.memory_space<hbm>>
      %dma_start3A_53 = tpu.memref_squeeze %dma_start3A_52 : memref<1x2048xf32, #tpu.memory_space<hbm>> -> memref<2048xf32, #tpu.memory_space<hbm>>
      tpu.enqueue_dma source(%dma_start3A_53 : memref<2048xf32, #tpu.memory_space<hbm>>) target(%arg8 : memref<2048xf32, #tpu.memory_space<vmem>>) target_semaphore(%run_scoped3A_47 : memref<!tpu.dma_semaphore, #tpu.memory_space<semaphore_mem>>)
      %dma_wait3A_54 = arith.constant 0 : i32
      %dma_wait3A_55 = tpu.memref_slice %arg4[%add3A_33, %dma_wait3A_54] : memref<64x2048xf32, #tpu.memory_space<hbm>> -> memref<1x2048xf32, #tpu.memory_space<hbm>>
      %dma_wait3A_56 = tpu.memref_squeeze %dma_wait3A_55 : memref<1x2048xf32, #tpu.memory_space<hbm>> -> memref<2048xf32, #tpu.memory_space<hbm>>
      %dma_wait3A_57 = arith.constant 0 : i32
      %dma_wait3A_58 = tpu.memref_slice %arg4[%add3A_33, %dma_wait3A_57] : memref<64x2048xf32, #tpu.memory_space<hbm>> -> memref<1x2048xf32, #tpu.memory_space<hbm>>
      %dma_wait3A_59 = tpu.memref_squeeze %dma_wait3A_58 : memref<1x2048xf32, #tpu.memory_space<hbm>> -> memref<2048xf32, #tpu.memory_space<hbm>>
      tpu.wait_dma2 semaphore(%run_scoped3A_47 : memref<!tpu.dma_semaphore, #tpu.memory_space<semaphore_mem>>) src(%dma_wait3A_59 : memref<2048xf32, #tpu.memory_space<hbm>>) dst(%arg8 : memref<2048xf32, #tpu.memory_space<vmem>>)
      tpu.yield
    }) : () -> ()
    %dma_wait3A_34 = arith.constant 0 : i32
    %dma_wait3A_35 = tpu.memref_slice %arg3[%add3A_21, %dma_wait3A_34] : memref<64x100000xf32, #tpu.memory_space<hbm>> -> memref<1x100000xf32, #tpu.memory_space<hbm>>
    %dma_wait3A_36 = tpu.memref_squeeze %dma_wait3A_35 : memref<1x100000xf32, #tpu.memory_space<hbm>> -> memref<100000xf32, #tpu.memory_space<hbm>>
    %dma_wait3A_37 = arith.constant 0 : i32
    %dma_wait3A_38 = tpu.memref_slice %arg3[%add3A_21, %dma_wait3A_37] : memref<64x100000xf32, #tpu.memory_space<hbm>> -> memref<1x100000xf32, #tpu.memory_space<hbm>>
    %dma_wait3A_39 = tpu.memref_squeeze %dma_wait3A_38 : memref<1x100000xf32, #tpu.memory_space<hbm>> -> memref<100000xf32, #tpu.memory_space<hbm>>
    tpu.wait_dma2 semaphore(%arg10 : memref<!tpu.dma_semaphore, #tpu.memory_space<semaphore_mem>>) src(%dma_wait3A_39 : memref<100000xf32, #tpu.memory_space<hbm>>) dst(%arg7 : memref<100000xf32, #tpu.memory_space<vmem>>)
    %parallel_loop3A_40 = arith.constant 0 : i32
    %parallel_loop3A_41 = arith.constant 512 : i32
    %parallel_loop3A_42 = arith.constant 1 : i32
    scf.for %parallel_loop3A_47 = %parallel_loop3A_40 to %parallel_loop3A_41 step %parallel_loop3A_42  : i32 {
      %parallel_loop3A_48 = arith.constant 16 : i32
      %parallel_loop3A_49 = arith.muli %parallel_loop3A_47, %parallel_loop3A_48 : i32
      %parallel_loop3A_50 = arith.index_cast %parallel_loop3A_49 : i32 to index
      %parallel_loop3A_51 = tpu.vector_load %arg6[%parallel_loop3A_50] {strides = array<i32>} : memref<8192xi32, #tpu.memory_space<vmem>>, vector<16xi32>,
      %parallel_loop3A_52 = tpu.vector_load_idx %arg7[%parallel_loop3A_51] : memref<100000xf32, #tpu.memory_space<vmem>>[vector<16xi32>], vector<16xf32>,
      %parallel_loop3A_53 = arith.constant 128 : i32
      %parallel_loop3A_54 = arith.remsi %parallel_loop3A_47, %parallel_loop3A_53 : i32
      %parallel_loop3A_55 = arith.constant 16 : i32
      %parallel_loop3A_56 = arith.muli %parallel_loop3A_54, %parallel_loop3A_55 : i32
      %parallel_loop3A_57 = arith.index_cast %parallel_loop3A_56 : i32 to index
      %parallel_loop3A_58 = tpu.vector_load %arg8[%parallel_loop3A_57] {strides = array<i32>} : memref<2048xf32, #tpu.memory_space<vmem>>, vector<16xf32>,
      %parallel_loop3A_59 = arith.addf %parallel_loop3A_52, %parallel_loop3A_58 : vector<16xf32>
      %parallel_loop3A_60 = arith.constant 16 : i32
      %parallel_loop3A_61 = arith.muli %parallel_loop3A_47, %parallel_loop3A_60 : i32
      %parallel_loop3A_62 = arith.index_cast %parallel_loop3A_61 : i32 to index
      %parallel_loop3A_63 = tpu.vector_load %arg9[%parallel_loop3A_62] {strides = array<i32>} : memref<8192xf32, #tpu.memory_space<vmem>>, vector<16xf32>,
      tpu.vector_store %arg9[%parallel_loop3A_62], %parallel_loop3A_59 {strides = array<i32>} : memref<8192xf32, #tpu.memory_space<vmem>>, vector<16xf32>,
    } {sc.loop_unroll_factor = 4 : i64, sc.parallel_access}
    %run_scoped3A_43 = arith.constant 0 : i32
    "tpu.region"() ({
      %run_scoped3A_47 = tpu.sem_alloc : memref<!tpu.dma_semaphore, #tpu.memory_space<semaphore_mem>>
      %dma_start3A_48 = arith.constant 0 : i32
      %dma_start3A_49 = tpu.memref_slice %arg9[%dma_start3A_48] : memref<8192xf32, #tpu.memory_space<vmem>> -> memref<2048xf32, #tpu.memory_space<vmem>>
      %dma_start3A_50 = arith.constant 0 : i32
      %dma_start3A_51 = tpu.memref_slice %arg5[%run_scoped3A_43, %add3A_33, %dma_start3A_50] : memref<4x64x2048xf32, #tpu.memory_space<hbm>> -> memref<1x1x2048xf32, #tpu.memory_space<hbm>>
      %dma_start3A_52 = tpu.memref_squeeze %dma_start3A_51 : memref<1x1x2048xf32, #tpu.memory_space<hbm>> -> memref<2048xf32, #tpu.memory_space<hbm>>
      %dma_start3A_53 = arith.constant 0 : i32
      %dma_start3A_54 = tpu.memref_slice %arg5[%run_scoped3A_43, %add3A_33, %dma_start3A_53] : memref<4x64x2048xf32, #tpu.memory_space<hbm>> -> memref<1x1x2048xf32, #tpu.memory_space<hbm>>
      %dma_start3A_55 = tpu.memref_squeeze %dma_start3A_54 : memref<1x1x2048xf32, #tpu.memory_space<hbm>> -> memref<2048xf32, #tpu.memory_space<hbm>>
      %dma_start3A_56 = arith.constant 0 : i32
      %dma_start3A_57 = tpu.memref_slice %arg9[%dma_start3A_56] : memref<8192xf32, #tpu.memory_space<vmem>> -> memref<2048xf32, #tpu.memory_space<vmem>>
      tpu.enqueue_dma source(%dma_start3A_57 : memref<2048xf32, #tpu.memory_space<vmem>>) target(%dma_start3A_55 : memref<2048xf32, #tpu.memory_space<hbm>>) target_semaphore(%run_scoped3A_47 : memref<!tpu.dma_semaphore, #tpu.memory_space<semaphore_mem>>)
      %dma_wait3A_58 = arith.constant 0 : i32
      %dma_wait3A_59 = tpu.memref_slice %arg9[%dma_wait3A_58] : memref<8192xf32, #tpu.memory_space<vmem>> -> memref<2048xf32, #tpu.memory_space<vmem>>
      %dma_wait3A_60 = arith.constant 0 : i32
      %dma_wait3A_61 = tpu.memref_slice %arg5[%run_scoped3A_43, %add3A_33, %dma_wait3A_60] : memref<4x64x2048xf32, #tpu.memory_space<hbm>> -> memref<1x1x2048xf32, #tpu.memory_space<hbm>>
      %dma_wait3A_62 = tpu.memref_squeeze %dma_wait3A_61 : memref<1x1x2048xf32, #tpu.memory_space<hbm>> -> memref<2048xf32, #tpu.memory_space<hbm>>
      %dma_wait3A_63 = arith.constant 0 : i32
      %dma_wait3A_64 = tpu.memref_slice %arg5[%run_scoped3A_43, %add3A_33, %dma_wait3A_63] : memref<4x64x2048xf32, #tpu.memory_space<hbm>> -> memref<1x1x2048xf32, #tpu.memory_space<hbm>>
      %dma_wait3A_65 = tpu.memref_squeeze %dma_wait3A_64 : memref<1x1x2048xf32, #tpu.memory_space<hbm>> -> memref<2048xf32, #tpu.memory_space<hbm>>
      %dma_wait3A_66 = arith.constant 0 : i32
      %dma_wait3A_67 = tpu.memref_slice %arg9[%dma_wait3A_66] : memref<8192xf32, #tpu.memory_space<vmem>> -> memref<2048xf32, #tpu.memory_space<vmem>>
      tpu.wait_dma2 semaphore(%run_scoped3A_47 : memref<!tpu.dma_semaphore, #tpu.memory_space<semaphore_mem>>) src(%dma_wait3A_67 : memref<2048xf32, #tpu.memory_space<vmem>>) dst(%dma_wait3A_65 : memref<2048xf32, #tpu.memory_space<hbm>>)
      tpu.yield
    }) : () -> ()
    %run_scoped3A_44 = arith.constant 1 : i32
    "tpu.region"() ({
      %run_scoped3A_47 = tpu.sem_alloc : memref<!tpu.dma_semaphore, #tpu.memory_space<semaphore_mem>>
      %dma_start3A_48 = arith.constant 2048 : i32
      %dma_start3A_49 = tpu.memref_slice %arg9[%dma_start3A_48] : memref<8192xf32, #tpu.memory_space<vmem>> -> memref<2048xf32, #tpu.memory_space<vmem>>
      %dma_start3A_50 = arith.constant 0 : i32
      %dma_start3A_51 = tpu.memref_slice %arg5[%run_scoped3A_44, %add3A_33, %dma_start3A_50] : memref<4x64x2048xf32, #tpu.memory_space<hbm>> -> memref<1x1x2048xf32, #tpu.memory_space<hbm>>
      %dma_start3A_52 = tpu.memref_squeeze %dma_start3A_51 : memref<1x1x2048xf32, #tpu.memory_space<hbm>> -> memref<2048xf32, #tpu.memory_space<hbm>>
      %dma_start3A_53 = arith.constant 0 : i32
      %dma_start3A_54 = tpu.memref_slice %arg5[%run_scoped3A_44, %add3A_33, %dma_start3A_53] : memref<4x64x2048xf32, #tpu.memory_space<hbm>> -> memref<1x1x2048xf32, #tpu.memory_space<hbm>>
      %dma_start3A_55 = tpu.memref_squeeze %dma_start3A_54 : memref<1x1x2048xf32, #tpu.memory_space<hbm>> -> memref<2048xf32, #tpu.memory_space<hbm>>
      %dma_start3A_56 = arith.constant 2048 : i32
      %dma_start3A_57 = tpu.memref_slice %arg9[%dma_start3A_56] : memref<8192xf32, #tpu.memory_space<vmem>> -> memref<2048xf32, #tpu.memory_space<vmem>>
      tpu.enqueue_dma source(%dma_start3A_57 : memref<2048xf32, #tpu.memory_space<vmem>>) target(%dma_start3A_55 : memref<2048xf32, #tpu.memory_space<hbm>>) target_semaphore(%run_scoped3A_47 : memref<!tpu.dma_semaphore, #tpu.memory_space<semaphore_mem>>)
      %dma_wait3A_58 = arith.constant 2048 : i32
      %dma_wait3A_59 = tpu.memref_slice %arg9[%dma_wait3A_58] : memref<8192xf32, #tpu.memory_space<vmem>> -> memref<2048xf32, #tpu.memory_space<vmem>>
      %dma_wait3A_60 = arith.constant 0 : i32
      %dma_wait3A_61 = tpu.memref_slice %arg5[%run_scoped3A_44, %add3A_33, %dma_wait3A_60] : memref<4x64x2048xf32, #tpu.memory_space<hbm>> -> memref<1x1x2048xf32, #tpu.memory_space<hbm>>
      %dma_wait3A_62 = tpu.memref_squeeze %dma_wait3A_61 : memref<1x1x2048xf32, #tpu.memory_space<hbm>> -> memref<2048xf32, #tpu.memory_space<hbm>>
      %dma_wait3A_63 = arith.constant 0 : i32
      %dma_wait3A_64 = tpu.memref_slice %arg5[%run_scoped3A_44, %add3A_33, %dma_wait3A_63] : memref<4x64x2048xf32, #tpu.memory_space<hbm>> -> memref<1x1x2048xf32, #tpu.memory_space<hbm>>
      %dma_wait3A_65 = tpu.memref_squeeze %dma_wait3A_64 : memref<1x1x2048xf32, #tpu.memory_space<hbm>> -> memref<2048xf32, #tpu.memory_space<hbm>>
      %dma_wait3A_66 = arith.constant 2048 : i32
      %dma_wait3A_67 = tpu.memref_slice %arg9[%dma_wait3A_66] : memref<8192xf32, #tpu.memory_space<vmem>> -> memref<2048xf32, #tpu.memory_space<vmem>>
      tpu.wait_dma2 semaphore(%run_scoped3A_47 : memref<!tpu.dma_semaphore, #tpu.memory_space<semaphore_mem>>) src(%dma_wait3A_67 : memref<2048xf32, #tpu.memory_space<vmem>>) dst(%dma_wait3A_65 : memref<2048xf32, #tpu.memory_space<hbm>>)
      tpu.yield
    }) : () -> ()
    %run_scoped3A_45 = arith.constant 2 : i32
    "tpu.region"() ({
      %run_scoped3A_47 = tpu.sem_alloc : memref<!tpu.dma_semaphore, #tpu.memory_space<semaphore_mem>>
      %dma_start3A_48 = arith.constant 4096 : i32
      %dma_start3A_49 = tpu.memref_slice %arg9[%dma_start3A_48] : memref<8192xf32, #tpu.memory_space<vmem>> -> memref<2048xf32, #tpu.memory_space<vmem>>
      %dma_start3A_50 = arith.constant 0 : i32
      %dma_start3A_51 = tpu.memref_slice %arg5[%run_scoped3A_45, %add3A_33, %dma_start3A_50] : memref<4x64x2048xf32, #tpu.memory_space<hbm>> -> memref<1x1x2048xf32, #tpu.memory_space<hbm>>
      %dma_start3A_52 = tpu.memref_squeeze %dma_start3A_51 : memref<1x1x2048xf32, #tpu.memory_space<hbm>> -> memref<2048xf32, #tpu.memory_space<hbm>>
      %dma_start3A_53 = arith.constant 0 : i32
      %dma_start3A_54 = tpu.memref_slice %arg5[%run_scoped3A_45, %add3A_33, %dma_start3A_53] : memref<4x64x2048xf32, #tpu.memory_space<hbm>> -> memref<1x1x2048xf32, #tpu.memory_space<hbm>>
      %dma_start3A_55 = tpu.memref_squeeze %dma_start3A_54 : memref<1x1x2048xf32, #tpu.memory_space<hbm>> -> memref<2048xf32, #tpu.memory_space<hbm>>
      %dma_start3A_56 = arith.constant 4096 : i32
      %dma_start3A_57 = tpu.memref_slice %arg9[%dma_start3A_56] : memref<8192xf32, #tpu.memory_space<vmem>> -> memref<2048xf32, #tpu.memory_space<vmem>>
      tpu.enqueue_dma source(%dma_start3A_57 : memref<2048xf32, #tpu.memory_space<vmem>>) target(%dma_start3A_55 : memref<2048xf32, #tpu.memory_space<hbm>>) target_semaphore(%run_scoped3A_47 : memref<!tpu.dma_semaphore, #tpu.memory_space<semaphore_mem>>)
      %dma_wait3A_58 = arith.constant 4096 : i32
      %dma_wait3A_59 = tpu.memref_slice %arg9[%dma_wait3A_58] : memref<8192xf32, #tpu.memory_space<vmem>> -> memref<2048xf32, #tpu.memory_space<vmem>>
      %dma_wait3A_60 = arith.constant 0 : i32
      %dma_wait3A_61 = tpu.memref_slice %arg5[%run_scoped3A_45, %add3A_33, %dma_wait3A_60] : memref<4x64x2048xf32, #tpu.memory_space<hbm>> -> memref<1x1x2048xf32, #tpu.memory_space<hbm>>
      %dma_wait3A_62 = tpu.memref_squeeze %dma_wait3A_61 : memref<1x1x2048xf32, #tpu.memory_space<hbm>> -> memref<2048xf32, #tpu.memory_space<hbm>>
      %dma_wait3A_63 = arith.constant 0 : i32
      %dma_wait3A_64 = tpu.memref_slice %arg5[%run_scoped3A_45, %add3A_33, %dma_wait3A_63] : memref<4x64x2048xf32, #tpu.memory_space<hbm>> -> memref<1x1x2048xf32, #tpu.memory_space<hbm>>
      %dma_wait3A_65 = tpu.memref_squeeze %dma_wait3A_64 : memref<1x1x2048xf32, #tpu.memory_space<hbm>> -> memref<2048xf32, #tpu.memory_space<hbm>>
      %dma_wait3A_66 = arith.constant 4096 : i32
      %dma_wait3A_67 = tpu.memref_slice %arg9[%dma_wait3A_66] : memref<8192xf32, #tpu.memory_space<vmem>> -> memref<2048xf32, #tpu.memory_space<vmem>>
      tpu.wait_dma2 semaphore(%run_scoped3A_47 : memref<!tpu.dma_semaphore, #tpu.memory_space<semaphore_mem>>) src(%dma_wait3A_67 : memref<2048xf32, #tpu.memory_space<vmem>>) dst(%dma_wait3A_65 : memref<2048xf32, #tpu.memory_space<hbm>>)
      tpu.yield
    }) : () -> ()
    %run_scoped3A_46 = arith.constant 3 : i32
    "tpu.region"() ({
      %run_scoped3A_47 = tpu.sem_alloc : memref<!tpu.dma_semaphore, #tpu.memory_space<semaphore_mem>>
      %dma_start3A_48 = arith.constant 6144 : i32
      %dma_start3A_49 = tpu.memref_slice %arg9[%dma_start3A_48] : memref<8192xf32, #tpu.memory_space<vmem>> -> memref<2048xf32, #tpu.memory_space<vmem>>
      %dma_start3A_50 = arith.constant 0 : i32
      %dma_start3A_51 = tpu.memref_slice %arg5[%run_scoped3A_46, %add3A_33, %dma_start3A_50] : memref<4x64x2048xf32, #tpu.memory_space<hbm>> -> memref<1x1x2048xf32, #tpu.memory_space<hbm>>
      %dma_start3A_52 = tpu.memref_squeeze %dma_start3A_51 : memref<1x1x2048xf32, #tpu.memory_space<hbm>> -> memref<2048xf32, #tpu.memory_space<hbm>>
      %dma_start3A_53 = arith.constant 0 : i32
      %dma_start3A_54 = tpu.memref_slice %arg5[%run_scoped3A_46, %add3A_33, %dma_start3A_53] : memref<4x64x2048xf32, #tpu.memory_space<hbm>> -> memref<1x1x2048xf32, #tpu.memory_space<hbm>>
      %dma_start3A_55 = tpu.memref_squeeze %dma_start3A_54 : memref<1x1x2048xf32, #tpu.memory_space<hbm>> -> memref<2048xf32, #tpu.memory_space<hbm>>
      %dma_start3A_56 = arith.constant 6144 : i32
      %dma_start3A_57 = tpu.memref_slice %arg9[%dma_start3A_56] : memref<8192xf32, #tpu.memory_space<vmem>> -> memref<2048xf32, #tpu.memory_space<vmem>>
      tpu.enqueue_dma source(%dma_start3A_57 : memref<2048xf32, #tpu.memory_space<vmem>>) target(%dma_start3A_55 : memref<2048xf32, #tpu.memory_space<hbm>>) target_semaphore(%run_scoped3A_47 : memref<!tpu.dma_semaphore, #tpu.memory_space<semaphore_mem>>)
      %dma_wait3A_58 = arith.constant 6144 : i32
      %dma_wait3A_59 = tpu.memref_slice %arg9[%dma_wait3A_58] : memref<8192xf32, #tpu.memory_space<vmem>> -> memref<2048xf32, #tpu.memory_space<vmem>>
      %dma_wait3A_60 = arith.constant 0 : i32
      %dma_wait3A_61 = tpu.memref_slice %arg5[%run_scoped3A_46, %add3A_33, %dma_wait3A_60] : memref<4x64x2048xf32, #tpu.memory_space<hbm>> -> memref<1x1x2048xf32, #tpu.memory_space<hbm>>
      %dma_wait3A_62 = tpu.memref_squeeze %dma_wait3A_61 : memref<1x1x2048xf32, #tpu.memory_space<hbm>> -> memref<2048xf32, #tpu.memory_space<hbm>>
      %dma_wait3A_63 = arith.constant 0 : i32
      %dma_wait3A_64 = tpu.memref_slice %arg5[%run_scoped3A_46, %add3A_33, %dma_wait3A_63] : memref<4x64x2048xf32, #tpu.memory_space<hbm>> -> memref<1x1x2048xf32, #tpu.memory_space<hbm>>
      %dma_wait3A_65 = tpu.memref_squeeze %dma_wait3A_64 : memref<1x1x2048xf32, #tpu.memory_space<hbm>> -> memref<2048xf32, #tpu.memory_space<hbm>>
      %dma_wait3A_66 = arith.constant 6144 : i32
      %dma_wait3A_67 = tpu.memref_slice %arg9[%dma_wait3A_66] : memref<8192xf32, #tpu.memory_space<vmem>> -> memref<2048xf32, #tpu.memory_space<vmem>>
      tpu.wait_dma2 semaphore(%run_scoped3A_47 : memref<!tpu.dma_semaphore, #tpu.memory_space<semaphore_mem>>) src(%dma_wait3A_67 : memref<2048xf32, #tpu.memory_space<vmem>>) dst(%dma_wait3A_65 : memref<2048xf32, #tpu.memory_space<hbm>>)
      tpu.yield
    }) : () -> ()
    return
  }
}

</mosaic_0001>

<sc_bundles>
// kernel: kernel.3.cloned.1.call-start
scs
__scs_entry_jumppad:
0x0: {  	(pc) =	sbr.rel $0x88, $3  }
0x1: {  	(tag) =	ssettag $0x0;
	lr =	simm.s32 $0x1  }
0x2: {  	[smem:$0x3F9E] =	sst lr;
	_ =	strace $0xD0000000  }
0x3: {  	_ = 	snop  }
0x4: {  	_ = 	snop  }
0x5: {  	_ = 	snop  }
0x6: {  	_ = 	snop  }
0x7: {  	_ = 	snop  }
__scs_overlays_trampoline_lowered:
0x8: {  	[smem:$0x3FAD] =	sst s0  }
0x9: {  	[smem:$0x3FAE] =	sst s1  }
0xa: {  	[smem:$0x3FAF] =	sst s2  }
0xb: {  	[smem:$0x3FB0] =	sst s3  }
0xc: {  	[smem:$0x3FB1] =	sst s4  }
0xd: {  	[smem:$0x3FB2] =	sst s5  }
0xe: {  	[smem:$0x3FB3] =	sst s6  }
0xf: {  	[smem:$0x3FB4] =	sst s7  }
0x10: {  	[smem:$0x3FB5] =	sst s8  }
0x11: {  	[smem:$0x3FB6] =	sst s9;
	s0 =	simm.s32 @!p0 $0x0  }
0x12: {  	s1 =	sld [smem:$0x3F9C];
	s0 =	simm.s32 @p0 $0x1  }
0x13: {  	[smem:$0x3FB7] =	sst s0;
	s0 =	simm.s32 @!p1 $0x0  }
0x14: {  	s2 =	sld [smem:$0x3F9B];
	s0 =	simm.s32 @p1 $0x1  }
0x15: {  	[smem:$0x3FB8] =	sst s0;
	s0 =	simm.s32 @!p2 $0x0  }
0x16: {  	s3 =	sld [smem:$0x3FDB];
	s0 =	simm.s32 @p2 $0x1  }
0x17: {  	s4 =	simm.s32 $0x1BF5;
	[smem:$0x3FBA] =	sst s0  }
0x18: {  	s0 =	sld [smem:$0x3F9D];
	_ =	swait.ge [sflag:s4], $0x0  }
0x19: {  	s7 =	sld [smem:$0x3F9E]  }
0x1a: {  	s8 =	sadd.s32 $0xFFFFE003, lr  }
0x1b: {  	s9 =	sadd.s32 $0xFFFFFEF7, lr;
	s5 =	simm.s32 $0xFFFFFFFF;
	p2 =	slt.u32 s8, $0xFFFFF086  }
0x1c: {  	p1 =	slt.u32 s9, $0xF7A;
	s5 =	simm.s32 @!p2 $0x0  }
0x1d: {  	s5 =	simm.s32 @p1 $0x1;
	p0 =	seq.s32 s7, s2  }
0x1e: {  	s7 =	smul.u32 @!p0 $0xF7A, s2;
	p2 =	seq.s32 @!p0 s5, $0x0  }
0x1f: {  	s9 =	smul.u32 $0xF7A, s1;
	s8 =	simm.s32 @!p0 $0x1BF5;
	p2 =	por !p2, p0  }
0x20: {  	[sflag:s8] =	ssyncset.s32 @!p0 $0xFFFFF086;
	s6 =	sadd.s32 @!p0 s3, s7;
	s7 =	simm.s32 @!p0 $0x108  }
0x21: {  	s3 =	sadd.s32 s3, s9;
	s6 =	sadd.s32 @!p0 $0x88, s6;
	s7 =	simm.s32 @p2 $0x1082  }
0x22: {  	[simem:s7], [sflag:s8] =	dma.local @!p0 [hbm:s6], $0xF7A  }
0x23: {  	s9 =	sor.u32 $0xD0000000, s2;
	s6 =	simm.s32 $0x108;
	_ =	swait.ge @!p0 [sflag:s8], $0x0  }
0x24: {  	s3 =	sadd.s32 $0x88, s3;
	s6 =	simm.s32 @!p1 $0x1082;
	[sflag:s4] =	ssyncset.s32 $0xFFFFF086  }
0x25: {  	[simem:s6], [sflag:s4] =	dma.local [hbm:s3], $0xF7A  }
0x26: {  	[smem:$0x3F9E] =	sst s1;
	(tag) =	ssettag s2;
	_ =	strace s9  }
0x27: {  	s1 =	sld [smem:$0x3FAE]  }
0x28: {  	s2 =	sld [smem:$0x3FAF]  }
0x29: {  	s4 =	sld [smem:$0x3FB1]  }
0x2a: {  	p0 =	seq.s32 s5, $0x0;
	s5 =	sld [smem:$0x3FB2]  }
0x2b: {  	s6 =	sld [smem:$0x3FB3]  }
0x2c: {  	s7 =	sld [smem:$0x3FB4]  }
0x2d: {  	s3 =	simm.s32 $0x108;
	s8 =	sld [smem:$0x3FB5]  }
0x2e: {  	s3 =	simm.s32 @!p0 $0x1082;
	s9 =	sld [smem:$0x3FB6]  }
0x2f: {  	lr =	sadd.s32 s0, s3;
	s0 =	sld [smem:$0x3FAD]  }
0x30: {  	s3 =	sld [smem:$0x3FB0]  }
0x31: {  	[smem:$0x3FB9] =	sst s10  }
0x32: {  	s10 =	sld [smem:$0x3FB7];
	_ =	sdelay $0x3  }
0x33: {  	p0 =	seq.s32 s10, $0x1;
	s10 =	sld [smem:$0x3FB9];
	_ =	sdelay $0x3  }
0x34: {  	[smem:$0x3FB9] =	sst s10  }
0x35: {  	s10 =	sld [smem:$0x3FB8];
	_ =	sdelay $0x3  }
0x36: {  	p1 =	seq.s32 s10, $0x1;
	s10 =	sld [smem:$0x3FB9];
	_ =	sdelay $0x3  }
0x37: {  	[smem:$0x3FB9] =	sst s10  }
0x38: {  	s10 =	sld [smem:$0x3FBA]  }
0x39: {  	_ = 	snop;
	(pc) =	sbr.ind lr, $3  }
0x3a: {  	_ = 	snop  }
0x3b: {  	_ = 	snop  }
0x3c: {  	p2 =	seq.s32 s10, $0x1;
	s10 =	sld [smem:$0x3FB9]  }
0x3d: {  	_ =	shalt  }
0x3e: {  	_ =	shalt  }
0x3f: {  	_ =	shalt  }
0x40: {  	_ =	shalt  }
0x41: {  	_ =	shalt  }
0x42: {  	_ =	shalt  }
0x43: {  	_ =	shalt  }
0x44: {  	_ =	shalt  }
0x45: {  	_ =	shalt  }
0x46: {  	_ =	shalt  }
0x47: {  	_ =	shalt  }
0x48: {  	_ =	shalt  }
0x49: {  	_ =	shalt  }
0x4a: {  	_ =	shalt  }
0x4b: {  	_ =	shalt  }
0x4c: {  	_ =	shalt  }
0x4d: {  	_ =	shalt  }
0x4e: {  	_ =	shalt  }
0x4f: {  	_ =	shalt  }
0x50: {  	_ =	shalt  }
0x51: {  	_ =	shalt  }
0x52: {  	_ =	shalt  }
0x53: {  	_ =	shalt  }
0x54: {  	_ =	shalt  }
0x55: {  	_ =	shalt  }
0x56: {  	_ =	shalt  }
0x57: {  	_ =	shalt  }
0x58: {  	_ =	shalt  }
0x59: {  	_ =	shalt  }
0x5a: {  	_ =	shalt  }
0x5b: {  	_ =	shalt  }
0x5c: {  	_ =	shalt  }
0x5d: {  	_ =	shalt  }
0x5e: {  	_ =	shalt  }
0x5f: {  	_ =	shalt  }
0x60: {  	_ =	shalt  }
0x61: {  	_ =	shalt  }
0x62: {  	_ =	shalt  }
0x63: {  	_ =	shalt  }
0x64: {  	_ =	shalt  }
0x65: {  	_ =	shalt  }
0x66: {  	_ =	shalt  }
0x67: {  	_ =	shalt  }
0x68: {  	_ =	shalt  }
0x69: {  	_ =	shalt  }
0x6a: {  	_ =	shalt  }
0x6b: {  	_ =	shalt  }
0x6c: {  	_ =	shalt  }
0x6d: {  	_ =	shalt  }
0x6e: {  	_ =	shalt  }
0x6f: {  	_ =	shalt  }
0x70: {  	_ =	shalt  }
0x71: {  	_ =	shalt  }
0x72: {  	_ =	shalt  }
0x73: {  	_ =	shalt  }
0x74: {  	_ =	shalt  }
0x75: {  	_ =	shalt  }
0x76: {  	_ =	shalt  }
0x77: {  	_ =	shalt  }
0x78: {  	_ =	shalt  }
0x79: {  	_ =	shalt  }
0x7a: {  	_ =	shalt  }
0x7b: {  	_ =	shalt  }
0x7c: {  	_ =	shalt  }
0x7d: {  	_ =	shalt  }
0x7e: {  	_ =	shalt  }
0x7f: {  	_ =	shalt  }
0x80: {  	_ =	shalt  }
0x81: {  	_ =	shalt  }
0x82: {  	_ =	shalt  }
0x83: {  	_ =	shalt  }
0x84: {  	_ =	shalt  }
0x85: {  	_ =	shalt  }
0x86: {  	_ =	shalt  }
0x87: {  	_ =	shalt  }
.Lfunc_end0:
.L_simem_size_0:
called_computation_lowered:
.L_overlay_start_0:
0x88: {  	s2 =	sld [smem:$0x3FD9]  }
0x89: {  	s3 =	sld [smem:$0x3FFE];
	_ =	sdelay $0x1  }
0x8a: {  	s1 =	srdreg.scid  }
0x8b: {  	s0 =	sand.u32 $0x1, s1  }
0x8c: {  	s18 =	sshll.u32 s0, $0xA;
	s2 =	sadd.s32 s3, s2  }
0x8d: {  	s2 =	sadd.s32 s2, s18  }
0x8e: {  	[smem:$0x3FC5] =	sst s2  }
0x8f: {  	_ = 	snop  }
0x90: {  	s2 =	sld [smem:$0x3FC9]  }
0x91: {  	s19 =	sld [smem:$0x3FC8]  }
0x92: {  	s4 =	sld [smem:$0x3FC7]  }
0x93: {  	s5 =	sld [smem:$0x3FD0];
	(tm) =	ssettm $0x1  }
0x94: {  	s6 =	sld [smem:$0x3FFB];
	_ =	sdelay $0x3  }
0x95: {  	_ =	strace s6  }
0x96: {  	s6 =	sld [smem:$0x3FFC];
	_ =	sdelay $0x3  }
0x97: {  	_ =	strace s6  }
0x98: {  	s6 =	sld [smem:$0x3FFD];
	_ =	sdelay $0x3  }
0x99: {  	_ =	strace s6  }
0x9a: {  	_ =	strace $0x8FFFFFFF  }
0x9b: {  	s20 =	sld [smem:$0x3FDB];
	_ =	sdelay $0x1  }
0x9c: {  	s7 =	simm.s32 $_scs_section_size  }
0x9d: {  	s8 =	simm.s32 $_size__tile_overlayer_lowered;
	s9 =	simm.s32 $_tile_overlayer_lowered  }
0x9e: {  	s23 =	simm.s32 $0x1BFF;
	s22 =	sshll.u32 s9, $0x1;
	s6 =	sadd.s32 s7, s20  }
0x9f: {  	s10 =	simm.s32 $0x0;
	s21 =	sshll.u32 s8, $0x1;
	s8 =	sadd.s32 s22, s6  }
0xa0: {  	[timem:s10], [sflag:s23] =	dma.local [hbm:s8], s21  }
0xa1: {  	_ =	swait.ge [sflag:s23], s21  }
0xa2: {  	s7 =	ssub.s32 $0x0, s21;
	[sflag:s23] =	ssyncset.done $0x0  }
0xa3: {  	[sflag:s23] =	ssyncadd.s32 s7;
	_ =	sdelay $0x1  }
0xa4: {  	s24 =	simm.s32 $0x1B8B  }
0xa5: {  	_ =	swait.ge [sflag:s24], $0x1  }
0xa6: {  	[sflag:s24] =	ssyncset.done $0x0  }
0xa7: {  	s25 =	simm.s32 $0x1B8E;
	[sflag:s24] =	ssyncadd.s32 $0xFFFFFFFF  }
0xa8: {  	s26 =	simm.s32 $execute0_lowered;
	[smem:$0x3FD2] =	sst s25  }
0xa9: {  	s7 =	sshll.u32 s26, $0x1;
	_ =	strace $0x80000046;
	[dreg:$0x1] =	wrdreg $0xFFFFFFFF  }
0xaa: {  	s28 =	simm.s32 $_size_execute0_lowered;
	s6 =	sadd.s32 s6, s7;
	[dreg:$0x0] =	wrdreg $0x0  }
0xab: {  	s7 =	sshll.u32 s28, $0x1;
	[dreg:$0x2] =	wrdreg s6  }
0xac: {  	[dreg:$0x3] =	wrdreg s7  }
0xad: {  	[dreg:$0x4] =	wrdreg $0xC0  }
0xae: {  	_ =	task [dreg:s10], $0x5FFFF  }
0xaf: {  	[dreg:$0x1] =	wrdreg $0xFFFFFFFF  }
0xb0: {  	[dreg:$0x0] =	wrdreg $0x60  }
0xb1: {  	[dreg:$0x2] =	wrdreg s2  }
0xb2: {  	[dreg:$0x3] =	wrdreg s19  }
0xb3: {  	[dreg:$0x4] =	wrdreg s4  }
0xb4: {  	[dreg:$0x5] =	wrdreg s5  }
0xb5: {  	[dreg:$0x6] =	wrdreg $0x9  }
0xb6: {  	_ =	task.clear_ibuf [dreg:s10], $0x7FFFF;
	_ =	strace $0x90000046  }
0xb7: {  	s29 =	simm.s32 $0x9;
	_ =	strace $0x80000048  }
0xb8: {  	_ =	swait.ge [sflag:s29], $0x1  }
0xb9: {  	[sflag:s29] =	ssyncadd.s32 $0xFFFFFFFF  }
0xba: {  	_ =	strace $0x90000048  }
0xbb: {  	_ =	sfence  }
0xbc: {  	s30 =	sld [smem:$0x0];
	_ =	sdelay $0x2  }
0xbd: {  	s31 =	sshll.u32 s1, $0xD;
	s1 =	sshrl.u32 s1, $0x2  }
0xbe: {  	s3 =	sand.u32 $0x4000, s31;
	s1 =	sadd.s32 s1, s30  }
0xbf: {  	s0 =	sor.u32 s3, s0;
	s1 =	sshll.u32 s1, $0x11  }
0xc0: {  	s0 =	sor.u32 s1, s0  }
0xc1: {  	s0 =	sadd.s32 $0x8F2B, s0  }
0xc2: {  	[sflag:s0] =	ssyncadd.remote.s32 $0x1  }
0xc3: {  	_ =	sfence.sel $0xFFFF  }
0xc4: {  	[dreg:$0x0] =	wrdreg $0xFFFFFFFF;
	(pc) =	sbr.abs _section_cstart, $3  }
0xc5: {  	[dreg:$0x1] =	wrdreg $0xFFFFFFFF  }
0xc6: {  	_ =	task.clear_ibuf [dreg:s10], $0x2FFFF;
	_ =	strace $0x9FFFFFFF  }
0xc7: {  	(tm) =	ssettm $0x7FFFFFFF  }
tec
execute0_lowered:
.L_overlay_start_1:
0x0: {  	(tag) =	ssettag $0x1  }
0x1: {  	s10 =	rddreg [dreg:$0x0]  }
0x2: {  	s0 =	rddreg [dreg:$0x1]  }
0x3: {  	s1 =	rddreg [dreg:$0x2]  }
0x4: {  	s2 =	rddreg [dreg:$0x3];
	s3 =	srdreg.scid  }
0x5: {  	s5 =	stileid.u32;
	s7 =	simm.s32 $0x0;
	s29 =	simm.s32 $0x1A700  }
0x6: {  	s30 =	simm.s32 $0x1;
	s31 =	simm.s32 $0x1AF00;
	s3 =	sand.u32 $0x1, s3  }
0x7: {  	s4 =	sshll.u32 s5, $0x9;
	s6 =	sshrl.u32 s5, $0x1;
	[smem:$0x7FF] =	sst s7  }
0x8: {  	s12 =	sadd.s32 $0x10, s10;
	s13 =	sadd.s32 $0x20, s10;
	s14 =	sadd.s32 $0x30, s10  }
0x9: {  	s28 =	sshll.u32 s3, $0x8;
	_ =	strace $0x80000047;
	[dreg:$0x6] =	wrdreg s12  }
0xa: {  	s4 =	sand.u32 $0x200, s4;
	s8 =	smul.u32 $0xC3800, s6;
	[dreg:$0x7] =	wrdreg s13  }
0xb: {  	s3 =	ssub.s32 $0x2, s3;
	s12 =	sshll.u32 s6, $0xE;
	[dreg:$0x8] =	wrdreg s14  }
0xc: {  	s4 =	sor.u32 s28, s4;
	s7 =	sshrl.u32 s3, $0x1;
	s17 =	sor.u32 $0x20000, s12  }
0xd: {  	s9 =	sor.u32 s8, s4;
	s3 =	ssub.s32 s3, s7;
	s16 =	sor.u32 $0x80, s4  }
0xe: {  	s20 =	sor.u32 s4, s17;
	s11 =	sshrl.u32 s9, $0x3;
	s9 =	sor.u32 s12, s4  }
0xf: {  	s18 =	sor.u32 s8, s16;
	s14 =	sor.u32 s12, s16;
	s23 =	sor.u32 s17, s16  }
0x10: {  	s5 =	sadd.s32 s0, s11;
	s15 =	sshrl.u32 s9, $0x3;
	s9 =	sshrl.u32 s18, $0x3  }
0x11: {  	s18 =	sor.u32 $0x40000, s12;
	s22 =	sshrl.u32 s14, $0x3;
	[dreg:$0x5] =	wrdreg s5  }
0x12: {  	s19 =	sadd.s32 s1, s15;
	s9 =	sadd.s32 s0, s9;
	s10 =	sadd.s32 s2, s15  }
0x13: {  	s0 =	sshrl.u32 s20, $0x3;
	s21 =	sor.u32 s4, s18;
	s14 =	sadd.s32 s1, s22  }
0x14: {  	s15 =	sadd.s32 s2, s22;
	s24 =	sor.u32 s18, s16;
	s20 =	simm.s32 $0x80  }
0x15: {  	s22 =	simm.s32 $0x2000;
	s1 =	simm.s32 $0x0;
	[dreg:$0x9] =	wrdreg s19  }
0x16: {  	s19 =	sor.u32 $0x60000, s12;
	s11 =	sadd.s32 s2, s0;
	s0 =	sshrl.u32 s21, $0x3  }
0x17: {  	s26 =	sshrl.u32 s24, $0x3;
	s21 =	simm.s32 $0x400;
	s24 =	simm.s32 $0x2  }
0x18: {  	s4 =	sor.u32 s4, s19;
	s12 =	sadd.s32 s2, s0;
	s0 =	sshrl.u32 s23, $0x3  }
0x19: {  	s25 =	sor.u32 s19, s16;
	s17 =	sadd.s32 s2, s26;
	s19 =	smax.u32 s3, $0x1  }
0x1a: {  	s23 =	simm.s32 $0x200;
	s3 =	simm.s32 $0x1C700;
	s4 =	sshrl.u32 s4, $0x3  }
0x1b: {  	s16 =	sadd.s32 s2, s0;
	s28 =	sshrl.u32 s25, $0x3;
	s0 =	simm.s32 $0x1B700  }
0x1c: {  	s13 =	sadd.s32 s2, s4;
	s18 =	sadd.s32 s2, s28;
	s2 =	simm.s32 $0x1BF00  }
.LBB2_1:
0x1d: {  	s4 =	rddreg [dreg:$0x5]  }
0x1e: {  	[tilespmem:s22], [sflag:$0x1] =	stream.strided.gather [hbm4b:s4+s20], $0x18700, s21, s20, $0x38;
	[tilespmem:$0x1CF00] =	vst v63  }
0x1f: {  	s6 =	rddreg [dreg:$0x0];
	s5 =	simm.s32 $0x0  }
0x20: {  	[tilespmem:s5], [sflag:$0x2] =	stream.strided.gather [hbm4b:s6+s20], $0x800, s23, s20, $0x38;
	[tilespmem:$0x1CF00] =	vst v63  }
0x21: {  	_ =	swait.ge [sflag:s24], $0x800  }
0x22: {  	[sflag:s24] =	ssyncset.done $0x0  }
0x23: {  	s8 =	simm.s32 $0x800;
	s7 =	rddreg [dreg:$0x6];
	[sflag:s24] =	ssyncadd.s32 $0xFFFFF800  }
0x24: {  	[tilespmem:s8], [sflag:$0x2] =	stream.strided.gather [hbm4b:s7+s20], $0x800, s23, s20, $0x38;
	[tilespmem:$0x1CF00] =	vst v63  }
0x25: {  	_ =	swait.ge [sflag:s24], $0x800  }
0x26: {  	[sflag:s24] =	ssyncset.done $0x0  }
0x27: {  	s26 =	simm.s32 $0x1000;
	s25 =	rddreg [dreg:$0x7];
	[sflag:s24] =	ssyncadd.s32 $0xFFFFF800  }
0x28: {  	[tilespmem:s26], [sflag:$0x2] =	stream.strided.gather [hbm4b:s25+s20], $0x800, s23, s20, $0x38;
	[tilespmem:$0x1CF00] =	vst v63  }
0x29: {  	_ =	swait.ge [sflag:s24], $0x800  }
0x2a: {  	[sflag:s24] =	ssyncset.done $0x0  }
0x2b: {  	s6 =	simm.s32 $0x1800;
	s5 =	rddreg [dreg:$0x8];
	[sflag:s24] =	ssyncadd.s32 $0xFFFFF800  }
0x2c: {  	[tilespmem:s6], [sflag:$0x2] =	stream.strided.gather [hbm4b:s5+s20], $0x800, s23, s20, $0x38;
	[tilespmem:$0x1CF00] =	vst v63  }
0x2d: {  	_ =	swait.ge [sflag:s24], $0x800  }
0x2e: {  	[sflag:s24] =	ssyncset.done $0x0  }
0x2f: {  	s7 =	rddreg [dreg:$0x9];
	[sflag:s24] =	ssyncadd.s32 $0xFFFFF800  }
0x30: {  	[tilespmem:s29], [sflag:$0x2] =	stream.strided.gather [hbm4b:s7+s20], $0x800, s21, s20, $0x38;
	[tilespmem:$0x1CF00] =	vst v63  }
0x31: {  	_ =	swait.ge [sflag:s24], $0x800  }
0x32: {  	[sflag:s24] =	ssyncset.done $0x0  }
0x33: {  	[sflag:s24] =	ssyncadd.s32 $0xFFFFF800  }
0x34: {  	_ =	swait.ge [sflag:s30], $0x18700  }
0x35: {  	[sflag:s30] =	ssyncset.done $0x0  }
0x36: {  	s25 =	simm.s32 $0x30;
	[sflag:s30] =	ssyncadd.s32 $0xFFFE7900  }
0x37: {  	v0 =	vld [tilespmem:s25+$0x0]  }
0x38: {  	s8 =	simm.s32 $0x0;
	v1 =	vld [tilespmem:s25+$0xFFFFFFD0]  }
0x39: {  	s4 =	sand.u32 $0x1F00, s8;
	s26 =	simm.s32 $0x40;
	v2 =	vld [tilespmem:s25+$0xFFFFFFE0]  }
0x3a: {  	s28 =	simm.s32 $0x80;
	s4 =	sshrl.u32 s4, $0x2;
	s26 =	sand.u32 $0x1F40, s26;
	v4 =	vld [tilespmem:s25+$0xFFFFFFF0]  }
0x3b: {  	s28 =	sand.u32 $0x1F80, s28;
	s26 =	sshrl.u32 s26, $0x2;
	v5 =	vld [tilespmem:s4+$0x1A700]  }
0x3c: {  	s28 =	sshrl.u32 s28, $0x2;
	v6 =	vld [tilespmem:s26+$0x1A700]  }
0x3d: {  	v8 =	vld [tilespmem:s28+$0x1A700];
	s26 =	simm.s32 $0x70  }
0x3e: {  	s5 =	simm.s32 $0xC0;
	v12 =	vld [tilespmem:s26+$0x0]  }
0x3f: {  	s4 =	sand.u32 $0x1FC0, s5;
	v13 =	vld [tilespmem:s26+$0xFFFFFFD0]  }
0x40: {  	s4 =	sshrl.u32 s4, $0x2;
	v3 =	vld [tilespmem:s26+$0xFFFFFFF0]  }
0x41: {  	v9 =	vld [tilespmem:s4+$0x1A700]  }
0x42: {  	v7 =	vld.idx.msk [tilespmem:v0+s22+$0x0], $0xffff  }
0x43: {  	v10 =	vld.idx.msk [tilespmem:v1+s22+$0x0], $0xffff  }
0x44: {  	s6 =	simm.s32 $0x100;
	v11 =	vld.idx.msk [tilespmem:v2+s22+$0x0], $0xffff  }
0x45: {  	s28 =	simm.s32 $0x140;
	s4 =	sand.u32 $0x1F00, s6;
	v2 =	vld [tilespmem:s26+$0xFFFFFFE0]  }
0x46: {  	s7 =	simm.s32 $0x180;
	s28 =	sand.u32 $0x1F40, s28;
	s4 =	sshrl.u32 s4, $0x2;
	v14 =	vld.idx.msk [tilespmem:v4+s22+$0x0], $0xffff  }
0x47: {  	s5 =	sand.u32 $0x1F80, s7;
	s28 =	sshrl.u32 s28, $0x2;
	v0 =	vld [tilespmem:s4+$0x1A700]  }
0x48: {  	s8 =	simm.s32 $0x1C0;
	s5 =	sshrl.u32 s5, $0x2;
	v1 =	vld [tilespmem:s28+$0x1A700];
	v7 =	vadd.f32 v9, v7  }
0x49: {  	v4 =	vld [tilespmem:s5+$0x1A700];
	s4 =	sand.u32 $0x1FC0, s8;
	v9 =	vadd.f32 v5, v10  }
0x4a: {  	s4 =	sshrl.u32 s4, $0x2;
	v6 =	vadd.f32 v6, v11;
	v5 =	vld.idx.msk [tilespmem:v12+s22+$0x0], $0xffff;
	[tilespmem:s25+$0x1AF00] =	vst v7  }
0x4b: {  	[tilespmem:s25+$0x1AED0] =	vst v9;
	v7 =	vld [tilespmem:s4+$0x1A700]  }
0x4c: {  	s28 =	simm.s32 $0x4;
	v8 =	vadd.f32 v8, v14;
	[tilespmem:s25+$0x1AEE0] =	vst v6;
	v6 =	vld.idx.msk [tilespmem:v13+s22+$0x0], $0xffff;
	s4 =	simm.s32 $0x2C0  }
.LBB2_2:
0x4d: {  	s5 =	sshra.s32 s4, $0x2;
	s6 =	sadd.s32 $0xFFFFFF40, s4;
	s28 =	sadd.s32 $0x4, s28;
	v9 =	vld.idx.msk [tilespmem:v2+s22+$0x0], $0xffff  }
0x4e: {  	s7 =	sadd.s32 $0xFFFFFF80, s4;
	s8 =	sadd.s32 $0xFFFFFFC0, s4;
	v10 =	vld [tilespmem:s5+$0x0];
	p0 =	slt.u32 s28, $0x1FC;
	[tilespmem:s25+$0x1AEF0] =	vst v8;
	v8 =	vmov v4  }
0x4f: {  	s6 =	sand.u32 $0x1F00, s6;
	s7 =	sand.u32 $0x1F40, s7;
	s8 =	sand.u32 $0x1F80, s8;
	v11 =	vld [tilespmem:s5+$0xFFFFFFD0]  }
0x50: {  	s6 =	sshrl.u32 s6, $0x2;
	s7 =	sshrl.u32 s7, $0x2;
	s8 =	sshrl.u32 s8, $0x2;
	v2 =	vld [tilespmem:s5+$0xFFFFFFE0];
	v4 =	vadd.f32 v7, v5  }
0x51: {  	s25 =	smov.u32 s26;
	s26 =	smov.u32 s5;
	v7 =	vld [tilespmem:s5+$0xFFFFFFF0]  }
0x52: {  	v5 =	vadd.f32 v0, v6;
	v12 =	vld.idx.msk [tilespmem:v3+s22+$0x0], $0xffff;
	[tilespmem:s25+$0x1AF00] =	vst v4  }
0x53: {  	v6 =	vadd.f32 v1, v9;
	v0 =	vld [tilespmem:s6+$0x1A700]  }
.Ltmp0:
0x54: {  	v1 =	vld [tilespmem:s7+$0x1A700];
	[tilespmem:s25+$0x1AED0] =	vst v5;
	(pc) =	sbr.rel @p0 .LBB2_2-.Ltmp0, $4  }
0x55: {  	s5 =	sand.u32 $0x1FC0, s4;
	v4 =	vld [tilespmem:s8+$0x1A700];
	[tilespmem:s25+$0x1AEE0] =	vst v6  }
0x56: {  	s5 =	sshrl.u32 s5, $0x2;
	v5 =	vld.idx.msk [tilespmem:v10+s22+$0x0], $0xffff;
	v3 =	vmov v7  }
0x57: {  	v7 =	vld [tilespmem:s5+$0x1A700]  }
0x58: {  	s4 =	sadd.s32 $0x100, s4;
	v8 =	vadd.f32 v8, v12;
	v6 =	vld.idx.msk [tilespmem:v11+s22+$0x0], $0xffff  }
0x59: {  	_ =	sdelay $0x3  }
0x5a: {  	v2 =	vld.idx.msk [tilespmem:v2+s22+$0x0], $0xffff  }
0x5b: {  	v3 =	vld.idx.msk [tilespmem:v3+s22+$0x0], $0xffff;
	_ =	sdelay $0x1  }
0x5c: {  	v5 =	vadd.f32 v7, v5  }
0x5d: {  	[tilespmem:s25+$0x1AEF0] =	vst v8;
	v0 =	vadd.f32 v0, v6  }
0x5e: {  	[tilespmem:s26+$0x1AF00] =	vst v5;
	v1 =	vadd.f32 v1, v2  }
0x5f: {  	[tilespmem:s26+$0x1AED0] =	vst v0;
	v0 =	vadd.f32 v4, v3  }
0x60: {  	[tilespmem:s26+$0x1AEE0] =	vst v1  }
0x61: {  	[tilespmem:s26+$0x1AEF0] =	vst v0  }
0x62: {  	[tilespmem:s22], [sflag:$0x1] =	stream.strided.gather [hbm4b:s9+s20], $0x18700, s21, s20, $0x38;
	[tilespmem:$0x1CF00] =	vst v63  }
0x63: {  	_ = 	snop  }
0x64: {  	[hbm4b:s10+s20] =	stream.strided.scatter [tilespmem:s31], [sflag:$0x2], $0x800, s21, s20, $0x38;
	[tilespmem:$0x1CF00] =	vst v63  }
0x65: {  	_ =	swait.ge [sflag:s24], $0x800  }
0x66: {  	[sflag:s24] =	ssyncset.done $0x0  }
0x67: {  	[sflag:s24] =	ssyncadd.s32 $0xFFFFF800  }
0x68: {  	[hbm4b:s11+s20] =	stream.strided.scatter [tilespmem:s0], [sflag:$0x2], $0x800, s21, s20, $0x38;
	[tilespmem:$0x1CF00] =	vst v63  }
0x69: {  	_ =	swait.ge [sflag:s24], $0x800  }
0x6a: {  	[sflag:s24] =	ssyncset.done $0x0  }
0x6b: {  	[sflag:s24] =	ssyncadd.s32 $0xFFFFF800  }
0x6c: {  	[hbm4b:s12+s20] =	stream.strided.scatter [tilespmem:s2], [sflag:$0x2], $0x800, s21, s20, $0x38;
	[tilespmem:$0x1CF00] =	vst v63  }
0x6d: {  	_ =	swait.ge [sflag:s24], $0x800  }
0x6e: {  	[sflag:s24] =	ssyncset.done $0x0  }
0x6f: {  	[sflag:s24] =	ssyncadd.s32 $0xFFFFF800  }
0x70: {  	[hbm4b:s13+s20] =	stream.strided.scatter [tilespmem:s3], [sflag:$0x2], $0x800, s21, s20, $0x38;
	[tilespmem:$0x1CF00] =	vst v63  }
0x71: {  	_ =	swait.ge [sflag:s24], $0x800  }
0x72: {  	[sflag:s24] =	ssyncset.done $0x0  }
0x73: {  	[sflag:s24] =	ssyncadd.s32 $0xFFFFF800  }
0x74: {  	[tilespmem:s29], [sflag:$0x2] =	stream.strided.gather [hbm4b:s14+s20], $0x800, s21, s20, $0x38;
	[tilespmem:$0x1CF00] =	vst v63  }
0x75: {  	_ =	swait.ge [sflag:s24], $0x800  }
0x76: {  	[sflag:s24] =	ssyncset.done $0x0  }
0x77: {  	[sflag:s24] =	ssyncadd.s32 $0xFFFFF800  }
0x78: {  	_ =	swait.ge [sflag:s30], $0x18700  }
0x79: {  	[sflag:s30] =	ssyncset.done $0x0  }
0x7a: {  	s25 =	simm.s32 $0x30;
	[sflag:s30] =	ssyncadd.s32 $0xFFFE7900  }
0x7b: {  	v0 =	vld [tilespmem:s25+$0x0]  }
0x7c: {  	s4 =	simm.s32 $0x0;
	v1 =	vld [tilespmem:s25+$0xFFFFFFD0]  }
0x7d: {  	s5 =	simm.s32 $0x40;
	s4 =	sand.u32 $0x1F00, s4;
	v2 =	vld [tilespmem:s25+$0xFFFFFFE0]  }
0x7e: {  	s6 =	simm.s32 $0x80;
	s5 =	sand.u32 $0x1F40, s5;
	s4 =	sshrl.u32 s4, $0x2;
	v4 =	vld [tilespmem:s25+$0xFFFFFFF0]  }
0x7f: {  	s6 =	sand.u32 $0x1F80, s6;
	s5 =	sshrl.u32 s5, $0x2;
	v5 =	vld [tilespmem:s4+$0x1A700]  }
0x80: {  	s6 =	sshrl.u32 s6, $0x2;
	s26 =	simm.s32 $0xC0;
	v6 =	vld [tilespmem:s5+$0x1A700]  }
0x81: {  	v8 =	vld [tilespmem:s6+$0x1A700];
	s4 =	sand.u32 $0x1FC0, s26;
	s26 =	simm.s32 $0x70  }
0x82: {  	v12 =	vld [tilespmem:s26+$0x0]  }
0x83: {  	v13 =	vld [tilespmem:s26+$0xFFFFFFD0]  }
0x84: {  	s4 =	sshrl.u32 s4, $0x2;
	v3 =	vld [tilespmem:s26+$0xFFFFFFF0]  }
0x85: {  	v9 =	vld [tilespmem:s4+$0x1A700]  }
0x86: {  	v7 =	vld.idx.msk [tilespmem:v0+s22+$0x0], $0xffff  }
0x87: {  	v10 =	vld.idx.msk [tilespmem:v1+s22+$0x0], $0xffff  }
0x88: {  	s5 =	simm.s32 $0x100;
	v11 =	vld.idx.msk [tilespmem:v2+s22+$0x0], $0xffff  }
0x89: {  	s6 =	simm.s32 $0x140;
	s4 =	sand.u32 $0x1F00, s5;
	v2 =	vld [tilespmem:s26+$0xFFFFFFE0]  }
0x8a: {  	s7 =	simm.s32 $0x180;
	s5 =	sand.u32 $0x1F40, s6;
	s4 =	sshrl.u32 s4, $0x2;
	v14 =	vld.idx.msk [tilespmem:v4+s22+$0x0], $0xffff  }
0x8b: {  	s6 =	sand.u32 $0x1F80, s7;
	s5 =	sshrl.u32 s5, $0x2;
	v0 =	vld [tilespmem:s4+$0x1A700]  }
0x8c: {  	s8 =	simm.s32 $0x1C0;
	s6 =	sshrl.u32 s6, $0x2;
	v1 =	vld [tilespmem:s5+$0x1A700];
	v7 =	vadd.f32 v9, v7  }
0x8d: {  	v4 =	vld [tilespmem:s6+$0x1A700];
	s4 =	sand.u32 $0x1FC0, s8;
	v9 =	vadd.f32 v5, v10  }
0x8e: {  	s4 =	sshrl.u32 s4, $0x2;
	v6 =	vadd.f32 v6, v11;
	v5 =	vld.idx.msk [tilespmem:v12+s22+$0x0], $0xffff;
	[tilespmem:s25+$0x1AF00] =	vst v7  }
0x8f: {  	[tilespmem:s25+$0x1AED0] =	vst v9;
	v7 =	vld [tilespmem:s4+$0x1A700]  }
0x90: {  	s28 =	simm.s32 $0x4;
	v8 =	vadd.f32 v8, v14;
	[tilespmem:s25+$0x1AEE0] =	vst v6;
	v6 =	vld.idx.msk [tilespmem:v13+s22+$0x0], $0xffff;
	s4 =	simm.s32 $0x2C0  }
.LBB2_4:
0x91: {  	s5 =	sshra.s32 s4, $0x2;
	s6 =	sadd.s32 $0xFFFFFF40, s4;
	s28 =	sadd.s32 $0x4, s28;
	v9 =	vld.idx.msk [tilespmem:v2+s22+$0x0], $0xffff  }
0x92: {  	s7 =	sadd.s32 $0xFFFFFF80, s4;
	s8 =	sadd.s32 $0xFFFFFFC0, s4;
	v10 =	vld [tilespmem:s5+$0x0];
	p0 =	slt.u32 s28, $0x1FC;
	[tilespmem:s25+$0x1AEF0] =	vst v8;
	v8 =	vmov v4  }
0x93: {  	s6 =	sand.u32 $0x1F00, s6;
	s7 =	sand.u32 $0x1F40, s7;
	s8 =	sand.u32 $0x1F80, s8;
	v11 =	vld [tilespmem:s5+$0xFFFFFFD0]  }
0x94: {  	s6 =	sshrl.u32 s6, $0x2;
	s7 =	sshrl.u32 s7, $0x2;
	s8 =	sshrl.u32 s8, $0x2;
	v2 =	vld [tilespmem:s5+$0xFFFFFFE0];
	v4 =	vadd.f32 v7, v5  }
0x95: {  	s25 =	smov.u32 s26;
	s26 =	smov.u32 s5;
	v7 =	vld [tilespmem:s5+$0xFFFFFFF0]  }
0x96: {  	v5 =	vadd.f32 v0, v6;
	v12 =	vld.idx.msk [tilespmem:v3+s22+$0x0], $0xffff;
	[tilespmem:s25+$0x1AF00] =	vst v4  }
0x97: {  	v6 =	vadd.f32 v1, v9;
	v0 =	vld [tilespmem:s6+$0x1A700]  }
.Ltmp1:
0x98: {  	v1 =	vld [tilespmem:s7+$0x1A700];
	[tilespmem:s25+$0x1AED0] =	vst v5;
	(pc) =	sbr.rel @p0 .LBB2_4-.Ltmp1, $4  }
0x99: {  	s5 =	sand.u32 $0x1FC0, s4;
	v4 =	vld [tilespmem:s8+$0x1A700];
	[tilespmem:s25+$0x1AEE0] =	vst v6  }
0x9a: {  	s5 =	sshrl.u32 s5, $0x2;
	v5 =	vld.idx.msk [tilespmem:v10+s22+$0x0], $0xffff;
	v3 =	vmov v7  }
0x9b: {  	v7 =	vld [tilespmem:s5+$0x1A700]  }
0x9c: {  	s4 =	sadd.s32 $0x100, s4;
	v8 =	vadd.f32 v8, v12;
	v6 =	vld.idx.msk [tilespmem:v11+s22+$0x0], $0xffff  }
0x9d: {  	_ =	sdelay $0x3  }
0x9e: {  	v2 =	vld.idx.msk [tilespmem:v2+s22+$0x0], $0xffff  }
0x9f: {  	v3 =	vld.idx.msk [tilespmem:v3+s22+$0x0], $0xffff;
	_ =	sdelay $0x1  }
0xa0: {  	v5 =	vadd.f32 v7, v5  }
0xa1: {  	[tilespmem:s25+$0x1AEF0] =	vst v8;
	v0 =	vadd.f32 v0, v6  }
0xa2: {  	[tilespmem:s26+$0x1AF00] =	vst v5;
	v1 =	vadd.f32 v1, v2  }
0xa3: {  	v63 =	vadd.f32 v4, v3;
	[tilespmem:s26+$0x1AED0] =	vst v0  }
0xa4: {  	[tilespmem:s26+$0x1AEE0] =	vst v1  }
0xa5: {  	[tilespmem:s26+$0x1AEF0] =	vst v63  }
0xa6: {  	[hbm4b:s15+s20] =	stream.strided.scatter [tilespmem:s31], [sflag:$0x2], $0x800, s21, s20, $0x38;
	[tilespmem:$0x1CF00] =	vst v63  }
0xa7: {  	_ =	swait.ge [sflag:s24], $0x800  }
0xa8: {  	[sflag:s24] =	ssyncset.done $0x0  }
0xa9: {  	[sflag:s24] =	ssyncadd.s32 $0xFFFFF800  }
0xaa: {  	[hbm4b:s16+s20] =	stream.strided.scatter [tilespmem:s0], [sflag:$0x2], $0x800, s21, s20, $0x38;
	[tilespmem:$0x1CF00] =	vst v63  }
0xab: {  	_ =	swait.ge [sflag:s24], $0x800  }
0xac: {  	[sflag:s24] =	ssyncset.done $0x0  }
0xad: {  	[sflag:s24] =	ssyncadd.s32 $0xFFFFF800  }
0xae: {  	[hbm4b:s17+s20] =	stream.strided.scatter [tilespmem:s2], [sflag:$0x2], $0x800, s21, s20, $0x38;
	[tilespmem:$0x1CF00] =	vst v63  }
0xaf: {  	s1 =	sadd.s32 $0x1, s1;
	_ =	swait.ge [sflag:s24], $0x800  }
0xb0: {  	p0 =	sne.s32 s1, s19;
	[sflag:s24] =	ssyncset.done $0x0  }
.Ltmp2:
0xb1: {  	[sflag:s24] =	ssyncadd.s32 $0xFFFFF800;
	(pc) =	sbr.rel @p0 .LBB2_1-.Ltmp2, $4  }
0xb2: {  	[hbm4b:s18+s20] =	stream.strided.scatter [tilespmem:s3], [sflag:$0x2], $0x800, s21, s20, $0x38;
	[tilespmem:$0x1CF00] =	vst v63  }
0xb3: {  	_ =	swait.ge [sflag:s24], $0x800  }
0xb4: {  	[sflag:s24] =	ssyncset.done $0x0  }
0xb5: {  	[sflag:s24] =	ssyncadd.s32 $0xFFFFF800  }
0xb6: {  	_ =	sfence.sel $0x180000  }
0xb7: {  	[bflag:$0x0] =	sbarrier.arrive $0xFFFF  }
0xb8: {  	_ =	strace $0x90000047  }
0xb9: {  	s0 =	stileid.u32;
	[bflag:$0x2] =	sbarrier.arrive $0xFFFF  }
0xba: {  	p0 =	sne.s32 s0, $0x0;
	s0 =	rddreg [dreg:$0x4]  }
0xbb: {  	s0 =	sadd.s32 @!p0 $0x100000, s0  }
0xbc: {  	[sflag:s0] =	ssyncadd.tile.s32 @!p0 $0x1;
	_ =	shalt  }
.Lfunc_end2:
_tile_overlayer_lowered:
.L_overlay_start_2:
0xbd: {  	(tag) =	ssettag $0x2  }
0xbe: {  	s0 =	rddreg [dreg:$0x0];
	s2 =	stileid.u32  }
0xbf: {  	s1 =	rddreg [dreg:$0x1];
	p0 =	sne.s32 s2, $0x0  }
0xc0: {  	s3 =	rddreg [dreg:$0x2];
	[bflag:$0x3] =	sbarrier.arrive $0xFFFF;
	s2 =	simm.s32 @!p0 $0x1C02  }
0xc1: {  	[timem:s3], [sflag:s2] =	dma.local @!p0 [hbm:s0], s1  }
0xc2: {  	s0 =	simm.s32 @!p0 $0x2  }
0xc3: {  	_ =	swait.ge @!p0 [sflag:s0], s1  }
0xc4: {  	s1 =	ssub.s32 @!p0 $0x0, s1;
	[sflag:s0] =	ssyncset.done @!p0 $0x0  }
0xc5: {  	[sflag:s0] =	ssyncadd.s32 @!p0 s1  }
0xc6: {  	[bflag:$0x3] =	sbarrier.arrive $0xFFFF  }
0xc7: {  	_ =	shalt  }

</sc_bundles>
